<compile_context>
chip_gen: v7x
topology: tpu7x:2x2x1
jax: 0.10.2.dev20260603
libtpu: 0.0.44.dev20260713+nightly
codegen_flags: <defaults>
</compile_context>

<pallas_src>
import functools

import jax
import jax.numpy as jnp
from jax import lax
from jax.experimental import pallas as pl
from jax.experimental.pallas import tpu as pltpu
from jax.experimental.pallas import tpu_sc as plsc

_NUM = 8
_NA = 5000
_NG = 16
_PAD_NA = 5120
_CHUNK = 1280
_VPT = _CHUNK // 16
_LN2 = 0.6931471805599453


def _vlog(x):
    bits = lax.bitcast_convert_type(x, jnp.int32)
    e = lax.shift_right_logical(bits, 23) - 127
    m = lax.bitcast_convert_type(
        jnp.bitwise_or(jnp.bitwise_and(bits, 0x007FFFFF), 0x3F800000),
        jnp.float32)
    big = m > 1.4142135623730951
    m = jnp.where(big, m * 0.5, m)
    e = jnp.where(big, e + 1, e)
    t = (m - 1.0) / (m + 1.0)
    t2 = t * t
    p = 1.0 + t2 * (1.0 / 3.0 + t2 * (1.0 / 5.0 + t2 * (1.0 / 7.0 + t2 * (1.0 / 9.0))))
    return e.astype(jnp.float32) * _LN2 + 2.0 * t * p


_SEG = _NUM * _PAD_NA


def _sc_body(big_h, out_h,
             ac_v, aw_v, l0_v, l1_v, igf_v, t_v,
             as_v, ae_v, alen_v, bov_v, bidx_v, bp_v,
             stage_v, tmp_v, mc_v, mw_v, res_v, sh):
    c = lax.axis_index("c")
    s = lax.axis_index("s")
    batch = c * 4 + s // 4
    chunk = s % 4
    base = batch * _PAD_NA + chunk * _CHUNK
    anchor0 = chunk * _CHUNK

    pltpu.sync_copy(big_h.at[pl.ds(base, _CHUNK)], ac_v)
    pltpu.sync_copy(big_h.at[pl.ds(_SEG + base, _CHUNK)], aw_v)
    pltpu.sync_copy(big_h.at[pl.ds(2 * _SEG + base, _CHUNK)], l0_v)
    pltpu.sync_copy(big_h.at[pl.ds(3 * _SEG + base, _CHUNK)], l1_v)
    pltpu.sync_copy(big_h.at[pl.ds(4 * _SEG + base, _CHUNK)], igf_v)
    pltpu.sync_copy(big_h.at[pl.ds(5 * _SEG + batch * 48, 48)], t_v)

    lane = lax.iota(jnp.int32, 16)
    neg1 = jnp.full((16,), -1.0, jnp.float32)
    zeroi = jnp.zeros((16,), jnp.int32)

    @plsc.parallel_loop(0, _VPT, unroll=2)
    def _setup(i):
        sl = pl.ds(i * 16, 16)
        ac = ac_v[sl]
        aw = aw_v[sl]
        a_s = ac - aw / 2.0
        a_e = ac + aw / 2.0
        as_v[sl] = a_s
        ae_v[sl] = a_e
        alen_v[sl] = a_e - a_s
        bov_v[sl] = neg1
        bidx_v[sl] = zeroi

    def per_g(g, carry):
        pk_i, pk_x = carry
        gidx = jnp.broadcast_to(g, (16,))
        gsb = plsc.load_gather(t_v, [3 * gidx])
        geb = plsc.load_gather(t_v, [3 * gidx + 1])
        glenb = geb - gsb

        def inner(i, cr):
            gm, gi = cr
            sl = pl.ds(i * 16, 16)
            a_s = as_v[sl]
            a_e = ae_v[sl]
            alen = alen_v[sl]
            inter = jnp.maximum(jnp.minimum(geb, a_e) - jnp.maximum(gsb, a_s), 0.0)
            union = jnp.maximum(glenb + alen - inter, 1e-10)
            iou = inter / union
            bov = bov_v[sl]
            upd = iou > bov
            bov_v[sl] = jnp.where(upd, iou, bov)
            bidx_v[sl] = jnp.where(upd, gidx, bidx_v[sl])
            aidx = anchor0 + i * 16 + lane
            gu = iou > gm
            gm = jnp.where(gu, iou, gm)
            gi = jnp.where(gu, aidx, gi)
            return gm, gi

        gm, gi = plsc.parallel_loop(0, _VPT, 1, unroll=8,
                                    carry=(neg1, zeroi))(inner)
        m = jnp.max(gm)
        cand = jnp.where(gm == m, gi, jnp.int32(2 ** 30))
        mi = jnp.min(cand)
        lm = lane == g
        pk_i = jnp.where(lm, m, pk_i)
        pk_x = jnp.where(lm, mi, pk_x)
        return pk_i, pk_x

    pk_i, pk_x = lax.fori_loop(0, _NG, per_g,
                               (jnp.zeros((16,), jnp.float32), zeroi))

    stage_v[pl.ds(0, 16)] = pk_i
    stage_v[pl.ds(16, 16)] = lax.bitcast_convert_type(pk_x, jnp.float32)
    pltpu.sync_copy(stage_v, sh.at[pl.ds(s * 32, 32)])
    plsc.subcore_barrier()
    s0 = (s // 4) * 4
    pltpu.sync_copy(sh.at[pl.ds(s0 * 32, 32)], tmp_v)
    cur_i = tmp_v[pl.ds(0, 16)]
    cur_x = lax.bitcast_convert_type(tmp_v[pl.ds(16, 16)], jnp.int32)
    for cc in range(1, 4):
        pltpu.sync_copy(sh.at[pl.ds((s0 + cc) * 32, 32)], tmp_v)
        vi = tmp_v[pl.ds(0, 16)]
        vx = lax.bitcast_convert_type(tmp_v[pl.ds(16, 16)], jnp.int32)
        u = vi > cur_i
        cur_i = jnp.where(u, vi, cur_i)
        cur_x = jnp.where(u, vx, cur_x)
    plsc.subcore_barrier()

    bp_v[...] = cur_x
    two_f = jnp.full((16,), 2.0, jnp.float32)

    def override(g, _):
        gidx = jnp.broadcast_to(g, (16,))
        bpg = plsc.load_gather(bp_v, [gidx])
        loc = bpg - anchor0
        mask = jnp.logical_and(lane == g,
                               jnp.logical_and(loc >= 0, loc < _CHUNK))
        li = jnp.clip(loc, 0, _CHUNK - 1)
        plsc.store_scatter(bov_v, [li], two_f, mask=mask)
        plsc.store_scatter(bidx_v, [li], gidx, mask=mask)
        return 0

    lax.fori_loop(0, _NG, override, 0)

    gs_vec = plsc.load_gather(t_v, [3 * lane])
    ge_vec = plsc.load_gather(t_v, [3 * lane + 1])
    mc_v[...] = (gs_vec + ge_vec) / 2.0
    mw_v[...] = ge_vec - gs_vec

    def p2(i, carry):
        ls, cs = carry
        sl = pl.ds(i * 16, 16)
        bov = bov_v[sl]
        bidx = bidx_v[sl]
        igf = igf_v[sl]
        ac = ac_v[sl]
        aw = aw_v[sl]
        l0 = l0_v[sl]
        l1 = l1_v[sl]
        p = jnp.logical_and(bov >= 0.5, igf == 0.0)
        mc = plsc.load_gather(mc_v, [bidx])
        mw = plsc.load_gather(mw_v, [bidx])
        lc = (mc - ac) / (0.1 * aw)
        r = jnp.maximum(mw / aw, 1e-10)
        lw = _vlog(r) / 0.2
        d0 = l0 - lc
        d1 = l1 - lw
        a0 = jnp.abs(d0)
        a1 = jnp.abs(d1)
        s0_ = jnp.where(a0 < 1.0, 0.5 * a0 * a0, a0 - 0.5)
        s1_ = jnp.where(a1 < 1.0, 0.5 * a1 * a1, a1 - 0.5)
        ls = ls + jnp.where(p, s0_ + s1_, 0.0)
        cs = cs + jnp.where(p, 1.0, 0.0)
        return ls, cs

    zero16 = jnp.zeros((16,), jnp.float32)
    ls, cs = plsc.parallel_loop(0, _VPT, 1, unroll=2,
                                carry=(zero16, zero16))(p2)
    lsum = jnp.sum(ls)
    csum = jnp.sum(cs)
    stage_v[pl.ds(0, 16)] = jnp.where(lane == 0, lsum, jnp.where(lane == 1, csum, 0.0))
    pltpu.sync_copy(stage_v, sh.at[pl.ds(s * 32, 32)])
    plsc.subcore_barrier()

    @pl.when(s == 0)
    def _():
        acc = jnp.zeros((16,), jnp.float32)
        for k in range(16):
            pltpu.sync_copy(sh.at[pl.ds(k * 32, 32)], tmp_v)
            acc = acc + tmp_v[pl.ds(0, 16)]
        res_v[...] = acc
        pltpu.sync_copy(res_v, out_h.at[pl.ds(c * 16, 16)])


@functools.partial(
    pl.kernel,
    mesh=plsc.VectorSubcoreMesh(core_axis_name="c", subcore_axis_name="s"),
    out_type=jax.ShapeDtypeStruct((32,), jnp.float32),
    compiler_params=pltpu.CompilerParams(needs_layout_passes=False),
    scratch_types=[
        pltpu.VMEM((_CHUNK,), jnp.float32),
        pltpu.VMEM((_CHUNK,), jnp.float32),
        pltpu.VMEM((_CHUNK,), jnp.float32),
        pltpu.VMEM((_CHUNK,), jnp.float32),
        pltpu.VMEM((_CHUNK,), jnp.float32),
        pltpu.VMEM((3 * _NG,), jnp.float32),
        pltpu.VMEM((_CHUNK,), jnp.float32),
        pltpu.VMEM((_CHUNK,), jnp.float32),
        pltpu.VMEM((_CHUNK,), jnp.float32),
        pltpu.VMEM((_CHUNK,), jnp.float32),
        pltpu.VMEM((_CHUNK,), jnp.int32),
        pltpu.VMEM((16,), jnp.int32),
        pltpu.VMEM((32,), jnp.float32),
        pltpu.VMEM((32,), jnp.float32),
        pltpu.VMEM((_NG,), jnp.float32),
        pltpu.VMEM((_NG,), jnp.float32),
        pltpu.VMEM((16,), jnp.float32),
        pltpu.VMEM_SHARED((512,), jnp.float32),
    ],
)
def _fgd_sc(*refs):
    _sc_body(*refs)


def kernel(loc_pred, conf_pred, refined_anchors, ignore_flags_refined_anchor, targets):
    del conf_pred
    pad = _PAD_NA - _NA
    ac = jnp.pad(refined_anchors[..., 0], ((0, 0), (0, pad)), constant_values=-10.0)
    aw = jnp.pad(refined_anchors[..., 1], ((0, 0), (0, pad)), constant_values=1.0)
    l0 = jnp.pad(loc_pred[..., 0], ((0, 0), (0, pad)))
    l1 = jnp.pad(loc_pred[..., 1], ((0, 0), (0, pad)))
    igf = jnp.pad(ignore_flags_refined_anchor.astype(jnp.float32),
                  ((0, 0), (0, pad)), constant_values=1.0)
    big = jnp.concatenate([ac.reshape(-1), aw.reshape(-1), l0.reshape(-1),
                           l1.reshape(-1), igf.reshape(-1), targets.reshape(-1)])
    out = _fgd_sc(big)
    return (out[0] + out[16]) / (out[1] + out[17])

# --- scband reference (transcript-rebuilt; emitter-appended) ---
"""Pipeline reference for scband-fgdloss-14843406975340 (READ-ONLY COPY).

The authoritative reference and input builder live on the scoring server;
editing this copy changes nothing except your own understanding.
"""

import jax, jax.numpy as jnp
import numpy as np

NUM_CLASSES = 21
OVERLAP_THRESH = 0.5
NEG_POS_RATIO = 3
VARIANCE = (0.1, 0.2)
NUM = 8
NUM_ANCHORS = 5000
NUM_GT = 16


def setup_inputs(seed: int = 0) -> dict:
    key = jax.random.key(seed)
    k1, k2, k3, k4, k5, k6, k7 = jax.random.split(key, 7)
    loc_pred = jax.random.normal(k1, (NUM, NUM_ANCHORS, 2), dtype=jnp.float32)
    conf_pred = jax.random.normal(k2, (NUM, NUM_ANCHORS, NUM_CLASSES), dtype=jnp.float32)
    centers = jax.random.uniform(k3, (NUM, NUM_ANCHORS), minval=0.0, maxval=1.0)
    widths = jax.random.uniform(k4, (NUM, NUM_ANCHORS), minval=0.02, maxval=0.3)
    refined_anchors = jnp.stack([centers, widths], axis=-1).astype(jnp.float32)
    ignore_flags = jax.random.randint(k5, (NUM, NUM_ANCHORS), 0, 2).astype(jnp.int32)
    edges = jnp.sort(jax.random.uniform(k6, (NUM, NUM_GT, 2), minval=0.0, maxval=0.97), axis=-1)
    edges = edges.at[..., 1].add(0.02)
    labels = jax.random.randint(k7, (NUM, NUM_GT), 1, NUM_CLASSES).astype(jnp.float32)
    targets = jnp.concatenate([edges, labels[..., None]], axis=-1).astype(jnp.float32)
    return {
        'loc_pred': loc_pred,
        'conf_pred': conf_pred,
        'refined_anchors': refined_anchors,
        'ignore_flags_refined_anchor': ignore_flags,
        'targets': targets,
    }


def _log_sum_exp(x):
    # SSD-style log_sum_exp: scalar max for numerical stability
    x_max = jnp.max(x)
    return jnp.log(jnp.sum(jnp.exp(x - x_max), axis=1, keepdims=True)) + x_max


def _match(gt_boxes, labels, anchors, ignore):
    # anchors in (center, width) form; gt_boxes in (start, end) form
    a_c = anchors[:, 0]
    a_w = anchors[:, 1]
    a_s = a_c - a_w / 2.0
    a_e = a_c + a_w / 2.0
    g_s = gt_boxes[:, 0]
    g_e = gt_boxes[:, 1]
    inter = jnp.clip(jnp.minimum(g_e[:, None], a_e[None, :]) - jnp.maximum(g_s[:, None], a_s[None, :]), 0.0)
    union = (g_e - g_s)[:, None] + (a_e - a_s)[None, :] - inter
    iou = inter / jnp.maximum(union, 1e-10)
    best_prior_idx = jnp.argmax(iou, axis=1)          # [num_gt]
    best_truth_overlap = jnp.max(iou, axis=0)         # [num_anchors]
    best_truth_idx = jnp.argmax(iou, axis=0)          # [num_anchors]
    # ensure every gt keeps its best anchor (bipartite step)
    best_truth_overlap = best_truth_overlap.at[best_prior_idx].set(2.0)
    best_truth_idx = best_truth_idx.at[best_prior_idx].set(jnp.arange(gt_boxes.shape[0]))
    matched = gt_boxes[best_truth_idx]                # [num_anchors, 2]
    conf = labels[best_truth_idx].astype(jnp.int32)
    conf = jnp.where(best_truth_overlap < OVERLAP_THRESH, 0, conf)
    conf = jnp.where(ignore > 0, 0, conf)             # ignored anchors -> background
    # encode with variance (center-size style)
    m_c = (matched[:, 0] + matched[:, 1]) / 2.0
    m_w = matched[:, 1] - matched[:, 0]
    l_c = (m_c - a_c) / (VARIANCE[0] * a_w)
    l_w = jnp.log(jnp.maximum(m_w / a_w, 1e-10)) / VARIANCE[1]
    return jnp.stack([l_c, l_w], axis=-1), conf


def reference(loc_pred, conf_pred, refined_anchors, ignore_flags_refined_anchor, targets):
    num = loc_pred.shape[0]
    loc_list, conf_list = [], []
    for idx in range(num):
        l, c = _match(targets[idx, :, :2], targets[idx, :, 2],
                      refined_anchors[idx], ignore_flags_refined_anchor[idx])
        loc_list.append(l)
        conf_list.append(c)
    # loc_t / conf_t are built from detached tensors in the torch code
    loc_t = jax.lax.stop_gradient(jnp.stack(loc_list))
    conf_t = jax.lax.stop_gradient(jnp.stack(conf_list))
    pos = conf_t > 0
    # hard-negative proxy computation (present in the torch forward; result unused in returned loss)
    for idx in range(num):
        single_conf_pred = conf_pred[idx]
        gathered = jnp.take_along_axis(single_conf_pred, conf_t[idx][:, None], axis=1)
        proxy = (_log_sum_exp(single_conf_pred) - gathered).reshape(-1)
        proxy = jnp.where(pos[idx], 0.0, proxy)
        proxy = jnp.where(ignore_flags_refined_anchor[idx] > 0, 0.0, proxy)
        loss_idx = jnp.argsort(-proxy)
        idx_rank = jnp.argsort(loss_idx)
    # smooth L1 over positive anchors, sum reduction
    diff = loc_pred - loc_t
    ad = jnp.abs(diff)
    sl1 = jnp.where(ad < 1.0, 0.5 * ad * ad, ad - 0.5)
    mask = pos[..., None].astype(loc_pred.dtype)
    loss_l = jnp.sum(sl1 * mask)
    total_num = jnp.sum(pos).astype(jnp.float32)
    return loss_l / total_num

if __name__ == "__main__":
    import jax
    _d = setup_inputs()
    print(jax.jit(kernel)(*tuple(_d.values())))

</pallas_src>

<mosaic_0001>
#map = affine_map<(d0, d1) -> (0)>
module attributes {stable_mosaic.version = 14 : i64} {
  func.func @_fgd_sc(%arg0: i32, %arg1: i32, %arg2: memref<205184xf32, #tpu.memory_space<hbm>>, %arg3: memref<32xf32, #tpu.memory_space<hbm>>, %arg4: memref<1280xf32, #tpu.memory_space<vmem>>, %arg5: memref<1280xf32, #tpu.memory_space<vmem>>, %arg6: memref<1280xf32, #tpu.memory_space<vmem>>, %arg7: memref<1280xf32, #tpu.memory_space<vmem>>, %arg8: memref<1280xf32, #tpu.memory_space<vmem>>, %arg9: memref<48xf32, #tpu.memory_space<vmem>>, %arg10: memref<1280xf32, #tpu.memory_space<vmem>>, %arg11: memref<1280xf32, #tpu.memory_space<vmem>>, %arg12: memref<1280xf32, #tpu.memory_space<vmem>>, %arg13: memref<1280xf32, #tpu.memory_space<vmem>>, %arg14: memref<1280xi32, #tpu.memory_space<vmem>>, %arg15: memref<16xi32, #tpu.memory_space<vmem>>, %arg16: memref<32xf32, #tpu.memory_space<vmem>>, %arg17: memref<32xf32, #tpu.memory_space<vmem>>, %arg18: memref<16xf32, #tpu.memory_space<vmem>>, %arg19: memref<16xf32, #tpu.memory_space<vmem>>, %arg20: memref<16xf32, #tpu.memory_space<vmem>>, %arg21: memref<512xf32, #tpu.memory_space<vmem_shared>>) attributes {dimension_semantics = [#tpu.dimension_semantics<core_parallel>, #tpu.dimension_semantics<subcore_parallel>], iteration_bounds = array<i64: 2, 16>, scalar_prefetch = 0 : i64, scratch_operands = 18 : i64, tpu.core_type = #tpu.core_type<sc_vector_subcore>, window_params = [{transform_indices = #map}, {transform_indices = #map}]} {
    %mul3A = arith.constant 4 : i32
    %mul3A_0 = arith.muli %arg0, %mul3A : i32
    %jit3A = arith.constant 4 : i32
    %div3A = arith.divsi %arg1, %jit3A : i32
    %sign3A = arith.constant 0 : i32
    %sign3A_1 = arith.cmpi sgt, %arg1, %sign3A : i32
    %sign3A_2 = arith.extui %sign3A_1 : i1 to i32
    %sign3A_3 = arith.constant 0 : i32
    %sign3A_4 = arith.cmpi slt, %arg1, %sign3A_3 : i32
    %sign3A_5 = arith.extui %sign3A_4 : i1 to i32
    %sign3A_6 = arith.subi %sign3A_2, %sign3A_5 : i32
    %sign3A_7 = arith.constant 0 : i32
    %sign3A_8 = arith.cmpi sgt, %jit3A, %sign3A_7 : i32
    %sign3A_9 = arith.extui %sign3A_8 : i1 to i32
    %sign3A_10 = arith.constant 0 : i32
    %sign3A_11 = arith.cmpi slt, %jit3A, %sign3A_10 : i32
    %sign3A_12 = arith.extui %sign3A_11 : i1 to i32
    %sign3A_13 = arith.subi %sign3A_9, %sign3A_12 : i32
    %ne3A = arith.cmpi ne, %sign3A_6, %sign3A_13 : i32
    %rem3A = arith.remsi %arg1, %jit3A : i32
    %ne3A_14 = arith.constant 0 : i32
    %ne3A_15 = arith.cmpi ne, %rem3A, %ne3A_14 : i32
    %and3A = arith.andi %ne3A, %ne3A_15 : i1
    %sub3A = arith.constant 1 : i32
    %sub3A_16 = arith.subi %div3A, %sub3A : i32
    %select_n3A = arith.select %and3A, %sub3A_16, %div3A : i32
    %add3A = arith.addi %mul3A_0, %select_n3A : i32
    %jit3A_17 = arith.constant 4 : i32
    %eq3A = arith.constant 0 : i32
    %eq3A_18 = arith.cmpi eq, %jit3A_17, %eq3A : i32
    %jit3A_19 = arith.constant 1 : i32
    %select_n3A_20 = arith.select %eq3A_18, %jit3A_19, %jit3A_17 : i32
    %rem3A_21 = arith.remsi %arg1, %select_n3A_20 : i32
    %ne3A_22 = arith.constant 0 : i32
    %ne3A_23 = arith.cmpi ne, %rem3A_21, %ne3A_22 : i32
    %lt3A = arith.constant 0 : i32
    %lt3A_24 = arith.cmpi slt, %rem3A_21, %lt3A : i32
    %lt3A_25 = arith.constant 0 : i32
    %lt3A_26 = arith.cmpi slt, %select_n3A_20, %lt3A_25 : i32
    %ne3A_27 = arith.xori %lt3A_24, %lt3A_26 : i1
    %and3A_28 = arith.andi %ne3A_27, %ne3A_23 : i1
    %add3A_29 = arith.addi %rem3A_21, %select_n3A_20 : i32
    %select_n3A_30 = arith.select %and3A_28, %add3A_29, %rem3A_21 : i32
    %mul3A_31 = arith.constant 5120 : i32
    %mul3A_32 = arith.muli %add3A, %mul3A_31 : i32
    %mul3A_33 = arith.constant 1280 : i32
    %mul3A_34 = arith.muli %select_n3A_30, %mul3A_33 : i32
    %add3A_35 = arith.addi %mul3A_32, %mul3A_34 : i32
    %mul3A_36 = arith.constant 1280 : i32
    %mul3A_37 = arith.muli %select_n3A_30, %mul3A_36 : i32
    "tpu.region"() ({
      %run_scoped3A = tpu.sem_alloc : memref<!tpu.dma_semaphore, #tpu.memory_space<semaphore_mem>>
      %dma_start3A = tpu.memref_slice %arg2[%add3A_35] : memref<205184xf32, #tpu.memory_space<hbm>> -> memref<1280xf32, #tpu.memory_space<hbm>>
      %dma_start3A_198 = tpu.memref_slice %arg2[%add3A_35] : memref<205184xf32, #tpu.memory_space<hbm>> -> memref<1280xf32, #tpu.memory_space<hbm>>
      tpu.enqueue_dma source(%dma_start3A_198 : memref<1280xf32, #tpu.memory_space<hbm>>) target(%arg4 : memref<1280xf32, #tpu.memory_space<vmem>>) target_semaphore(%run_scoped3A : memref<!tpu.dma_semaphore, #tpu.memory_space<semaphore_mem>>)
      %dma_wait3A = tpu.memref_slice %arg2[%add3A_35] : memref<205184xf32, #tpu.memory_space<hbm>> -> memref<1280xf32, #tpu.memory_space<hbm>>
      %dma_wait3A_199 = tpu.memref_slice %arg2[%add3A_35] : memref<205184xf32, #tpu.memory_space<hbm>> -> memref<1280xf32, #tpu.memory_space<hbm>>
      tpu.wait_dma2 semaphore(%run_scoped3A : memref<!tpu.dma_semaphore, #tpu.memory_space<semaphore_mem>>) src(%dma_wait3A_199 : memref<1280xf32, #tpu.memory_space<hbm>>) dst(%arg4 : memref<1280xf32, #tpu.memory_space<vmem>>)
      tpu.yield
    }) : () -> ()
    %add3A_38 = arith.constant 40960 : i32
    %add3A_39 = arith.addi %add3A_38, %add3A_35 : i32
    "tpu.region"() ({
      %run_scoped3A = tpu.sem_alloc : memref<!tpu.dma_semaphore, #tpu.memory_space<semaphore_mem>>
      %dma_start3A = tpu.memref_slice %arg2[%add3A_39] : memref<205184xf32, #tpu.memory_space<hbm>> -> memref<1280xf32, #tpu.memory_space<hbm>>
      %dma_start3A_198 = tpu.memref_slice %arg2[%add3A_39] : memref<205184xf32, #tpu.memory_space<hbm>> -> memref<1280xf32, #tpu.memory_space<hbm>>
      tpu.enqueue_dma source(%dma_start3A_198 : memref<1280xf32, #tpu.memory_space<hbm>>) target(%arg5 : memref<1280xf32, #tpu.memory_space<vmem>>) target_semaphore(%run_scoped3A : memref<!tpu.dma_semaphore, #tpu.memory_space<semaphore_mem>>)
      %dma_wait3A = tpu.memref_slice %arg2[%add3A_39] : memref<205184xf32, #tpu.memory_space<hbm>> -> memref<1280xf32, #tpu.memory_space<hbm>>
      %dma_wait3A_199 = tpu.memref_slice %arg2[%add3A_39] : memref<205184xf32, #tpu.memory_space<hbm>> -> memref<1280xf32, #tpu.memory_space<hbm>>
      tpu.wait_dma2 semaphore(%run_scoped3A : memref<!tpu.dma_semaphore, #tpu.memory_space<semaphore_mem>>) src(%dma_wait3A_199 : memref<1280xf32, #tpu.memory_space<hbm>>) dst(%arg5 : memref<1280xf32, #tpu.memory_space<vmem>>)
      tpu.yield
    }) : () -> ()
    %add3A_40 = arith.constant 81920 : i32
    %add3A_41 = arith.addi %add3A_40, %add3A_35 : i32
    "tpu.region"() ({
      %run_scoped3A = tpu.sem_alloc : memref<!tpu.dma_semaphore, #tpu.memory_space<semaphore_mem>>
      %dma_start3A = tpu.memref_slice %arg2[%add3A_41] : memref<205184xf32, #tpu.memory_space<hbm>> -> memref<1280xf32, #tpu.memory_space<hbm>>
      %dma_start3A_198 = tpu.memref_slice %arg2[%add3A_41] : memref<205184xf32, #tpu.memory_space<hbm>> -> memref<1280xf32, #tpu.memory_space<hbm>>
      tpu.enqueue_dma source(%dma_start3A_198 : memref<1280xf32, #tpu.memory_space<hbm>>) target(%arg6 : memref<1280xf32, #tpu.memory_space<vmem>>) target_semaphore(%run_scoped3A : memref<!tpu.dma_semaphore, #tpu.memory_space<semaphore_mem>>)
      %dma_wait3A = tpu.memref_slice %arg2[%add3A_41] : memref<205184xf32, #tpu.memory_space<hbm>> -> memref<1280xf32, #tpu.memory_space<hbm>>
      %dma_wait3A_199 = tpu.memref_slice %arg2[%add3A_41] : memref<205184xf32, #tpu.memory_space<hbm>> -> memref<1280xf32, #tpu.memory_space<hbm>>
      tpu.wait_dma2 semaphore(%run_scoped3A : memref<!tpu.dma_semaphore, #tpu.memory_space<semaphore_mem>>) src(%dma_wait3A_199 : memref<1280xf32, #tpu.memory_space<hbm>>) dst(%arg6 : memref<1280xf32, #tpu.memory_space<vmem>>)
      tpu.yield
    }) : () -> ()
    %add3A_42 = arith.constant 122880 : i32
    %add3A_43 = arith.addi %add3A_42, %add3A_35 : i32
    "tpu.region"() ({
      %run_scoped3A = tpu.sem_alloc : memref<!tpu.dma_semaphore, #tpu.memory_space<semaphore_mem>>
      %dma_start3A = tpu.memref_slice %arg2[%add3A_43] : memref<205184xf32, #tpu.memory_space<hbm>> -> memref<1280xf32, #tpu.memory_space<hbm>>
      %dma_start3A_198 = tpu.memref_slice %arg2[%add3A_43] : memref<205184xf32, #tpu.memory_space<hbm>> -> memref<1280xf32, #tpu.memory_space<hbm>>
      tpu.enqueue_dma source(%dma_start3A_198 : memref<1280xf32, #tpu.memory_space<hbm>>) target(%arg7 : memref<1280xf32, #tpu.memory_space<vmem>>) target_semaphore(%run_scoped3A : memref<!tpu.dma_semaphore, #tpu.memory_space<semaphore_mem>>)
      %dma_wait3A = tpu.memref_slice %arg2[%add3A_43] : memref<205184xf32, #tpu.memory_space<hbm>> -> memref<1280xf32, #tpu.memory_space<hbm>>
      %dma_wait3A_199 = tpu.memref_slice %arg2[%add3A_43] : memref<205184xf32, #tpu.memory_space<hbm>> -> memref<1280xf32, #tpu.memory_space<hbm>>
      tpu.wait_dma2 semaphore(%run_scoped3A : memref<!tpu.dma_semaphore, #tpu.memory_space<semaphore_mem>>) src(%dma_wait3A_199 : memref<1280xf32, #tpu.memory_space<hbm>>) dst(%arg7 : memref<1280xf32, #tpu.memory_space<vmem>>)
      tpu.yield
    }) : () -> ()
    %add3A_44 = arith.constant 163840 : i32
    %add3A_45 = arith.addi %add3A_44, %add3A_35 : i32
    "tpu.region"() ({
      %run_scoped3A = tpu.sem_alloc : memref<!tpu.dma_semaphore, #tpu.memory_space<semaphore_mem>>
      %dma_start3A = tpu.memref_slice %arg2[%add3A_45] : memref<205184xf32, #tpu.memory_space<hbm>> -> memref<1280xf32, #tpu.memory_space<hbm>>
      %dma_start3A_198 = tpu.memref_slice %arg2[%add3A_45] : memref<205184xf32, #tpu.memory_space<hbm>> -> memref<1280xf32, #tpu.memory_space<hbm>>
      tpu.enqueue_dma source(%dma_start3A_198 : memref<1280xf32, #tpu.memory_space<hbm>>) target(%arg8 : memref<1280xf32, #tpu.memory_space<vmem>>) target_semaphore(%run_scoped3A : memref<!tpu.dma_semaphore, #tpu.memory_space<semaphore_mem>>)
      %dma_wait3A = tpu.memref_slice %arg2[%add3A_45] : memref<205184xf32, #tpu.memory_space<hbm>> -> memref<1280xf32, #tpu.memory_space<hbm>>
      %dma_wait3A_199 = tpu.memref_slice %arg2[%add3A_45] : memref<205184xf32, #tpu.memory_space<hbm>> -> memref<1280xf32, #tpu.memory_space<hbm>>
      tpu.wait_dma2 semaphore(%run_scoped3A : memref<!tpu.dma_semaphore, #tpu.memory_space<semaphore_mem>>) src(%dma_wait3A_199 : memref<1280xf32, #tpu.memory_space<hbm>>) dst(%arg8 : memref<1280xf32, #tpu.memory_space<vmem>>)
      tpu.yield
    }) : () -> ()
    %mul3A_46 = arith.constant 48 : i32
    %mul3A_47 = arith.muli %add3A, %mul3A_46 : i32
    %add3A_48 = arith.constant 204800 : i32
    %add3A_49 = arith.addi %add3A_48, %mul3A_47 : i32
    "tpu.region"() ({
      %run_scoped3A = tpu.sem_alloc : memref<!tpu.dma_semaphore, #tpu.memory_space<semaphore_mem>>
      %dma_start3A = tpu.memref_slice %arg2[%add3A_49] : memref<205184xf32, #tpu.memory_space<hbm>> -> memref<48xf32, #tpu.memory_space<hbm>>
      %dma_start3A_198 = tpu.memref_slice %arg2[%add3A_49] : memref<205184xf32, #tpu.memory_space<hbm>> -> memref<48xf32, #tpu.memory_space<hbm>>
      tpu.enqueue_dma source(%dma_start3A_198 : memref<48xf32, #tpu.memory_space<hbm>>) target(%arg9 : memref<48xf32, #tpu.memory_space<vmem>>) target_semaphore(%run_scoped3A : memref<!tpu.dma_semaphore, #tpu.memory_space<semaphore_mem>>)
      %dma_wait3A = tpu.memref_slice %arg2[%add3A_49] : memref<205184xf32, #tpu.memory_space<hbm>> -> memref<48xf32, #tpu.memory_space<hbm>>
      %dma_wait3A_199 = tpu.memref_slice %arg2[%add3A_49] : memref<205184xf32, #tpu.memory_space<hbm>> -> memref<48xf32, #tpu.memory_space<hbm>>
      tpu.wait_dma2 semaphore(%run_scoped3A : memref<!tpu.dma_semaphore, #tpu.memory_space<semaphore_mem>>) src(%dma_wait3A_199 : memref<48xf32, #tpu.memory_space<hbm>>) dst(%arg9 : memref<48xf32, #tpu.memory_space<vmem>>)
      tpu.yield
    }) : () -> ()
    %iota3A = tpu.iota {dimensions = array<i32: 0>} : vector<16xi32>
    %broadcast_in_dim3A = arith.constant -1.000000e+00 : f32
    %broadcast_in_dim3A_50 = vector.broadcast %broadcast_in_dim3A : f32 to vector<16xf32>
    %broadcast_in_dim3A_51 = arith.constant 0 : i32
    %broadcast_in_dim3A_52 = vector.broadcast %broadcast_in_dim3A_51 : i32 to vector<16xi32>
    %parallel_loop3A = arith.constant 0 : i32
    %parallel_loop3A_53 = arith.constant 80 : i32
    %parallel_loop3A_54 = arith.constant 1 : i32
    scf.for %parallel_loop3A_198 = %parallel_loop3A to %parallel_loop3A_53 step %parallel_loop3A_54  : i32 {
      %parallel_loop3A_199 = arith.constant 16 : i32
      %parallel_loop3A_200 = arith.muli %parallel_loop3A_198, %parallel_loop3A_199 : i32
      %parallel_loop3A_201 = arith.index_cast %parallel_loop3A_200 : i32 to index
      %parallel_loop3A_202 = tpu.vector_load %arg4[%parallel_loop3A_201] {strides = array<i32>} : memref<1280xf32, #tpu.memory_space<vmem>>, vector<16xf32>,
      %parallel_loop3A_203 = arith.index_cast %parallel_loop3A_200 : i32 to index
      %parallel_loop3A_204 = tpu.vector_load %arg5[%parallel_loop3A_203] {strides = array<i32>} : memref<1280xf32, #tpu.memory_space<vmem>>, vector<16xf32>,
      %parallel_loop3A_205 = arith.constant 2.000000e+00 : f32
      %parallel_loop3A_206 = vector.broadcast %parallel_loop3A_205 : f32 to vector<16xf32>
      %parallel_loop3A_207 = arith.divf %parallel_loop3A_204, %parallel_loop3A_206 : vector<16xf32>
      %parallel_loop3A_208 = arith.subf %parallel_loop3A_202, %parallel_loop3A_207 : vector<16xf32>
      %parallel_loop3A_209 = arith.constant 2.000000e+00 : f32
      %parallel_loop3A_210 = vector.broadcast %parallel_loop3A_209 : f32 to vector<16xf32>
      %parallel_loop3A_211 = arith.divf %parallel_loop3A_204, %parallel_loop3A_210 : vector<16xf32>
      %parallel_loop3A_212 = arith.addf %parallel_loop3A_202, %parallel_loop3A_211 : vector<16xf32>
      %parallel_loop3A_213 = arith.index_cast %parallel_loop3A_200 : i32 to index
      %parallel_loop3A_214 = tpu.vector_load %arg10[%parallel_loop3A_213] {strides = array<i32>} : memref<1280xf32, #tpu.memory_space<vmem>>, vector<16xf32>,
      tpu.vector_store %arg10[%parallel_loop3A_213], %parallel_loop3A_208 {strides = array<i32>} : memref<1280xf32, #tpu.memory_space<vmem>>, vector<16xf32>,
      %parallel_loop3A_215 = arith.index_cast %parallel_loop3A_200 : i32 to index
      %parallel_loop3A_216 = tpu.vector_load %arg11[%parallel_loop3A_215] {strides = array<i32>} : memref<1280xf32, #tpu.memory_space<vmem>>, vector<16xf32>,
      tpu.vector_store %arg11[%parallel_loop3A_215], %parallel_loop3A_212 {strides = array<i32>} : memref<1280xf32, #tpu.memory_space<vmem>>, vector<16xf32>,
      %parallel_loop3A_217 = arith.subf %parallel_loop3A_212, %parallel_loop3A_208 : vector<16xf32>
      %parallel_loop3A_218 = arith.index_cast %parallel_loop3A_200 : i32 to index
      %parallel_loop3A_219 = tpu.vector_load %arg12[%parallel_loop3A_218] {strides = array<i32>} : memref<1280xf32, #tpu.memory_space<vmem>>, vector<16xf32>,
      tpu.vector_store %arg12[%parallel_loop3A_218], %parallel_loop3A_217 {strides = array<i32>} : memref<1280xf32, #tpu.memory_space<vmem>>, vector<16xf32>,
      %parallel_loop3A_220 = arith.index_cast %parallel_loop3A_200 : i32 to index
      %parallel_loop3A_221 = tpu.vector_load %arg13[%parallel_loop3A_220] {strides = array<i32>} : memref<1280xf32, #tpu.memory_space<vmem>>, vector<16xf32>,
      tpu.vector_store %arg13[%parallel_loop3A_220], %broadcast_in_dim3A_50 {strides = array<i32>} : memref<1280xf32, #tpu.memory_space<vmem>>, vector<16xf32>,
      %parallel_loop3A_222 = arith.index_cast %parallel_loop3A_200 : i32 to index
      %parallel_loop3A_223 = tpu.vector_load %arg14[%parallel_loop3A_222] {strides = array<i32>} : memref<1280xi32, #tpu.memory_space<vmem>>, vector<16xi32>,
      tpu.vector_store %arg14[%parallel_loop3A_222], %broadcast_in_dim3A_52 {strides = array<i32>} : memref<1280xi32, #tpu.memory_space<vmem>>, vector<16xi32>,
    } {sc.loop_unroll_factor = 2 : i64, sc.parallel_access}
    %broadcast_in_dim3A_55 = arith.constant 0.000000e+00 : f32
    %broadcast_in_dim3A_56 = vector.broadcast %broadcast_in_dim3A_55 : f32 to vector<16xf32>
    %scan3A = arith.constant 0 : i32
    %scan3A_57 = arith.constant 16 : i32
    %scan3A_58 = arith.addi %scan3A, %scan3A_57 : i32
    %scan3A_59 = arith.constant 1 : i32
    %scan3A_60:2 = scf.for %scan3A_198 = %scan3A to %scan3A_58 step %scan3A_59 iter_args(%scan3A_199 = %broadcast_in_dim3A_56, %scan3A_200 = %broadcast_in_dim3A_52) -> (vector<16xf32>, vector<16xi32>)  : i32 {
      %broadcast_in_dim3A_201 = vector.broadcast %scan3A_198 : i32 to vector<16xi32>
      %mul3A_202 = arith.constant 3 : i32
      %mul3A_203 = vector.broadcast %mul3A_202 : i32 to vector<16xi32>
      %mul3A_204 = arith.muli %mul3A_203, %broadcast_in_dim3A_201 : vector<16xi32>
      %gather3A_205 = tpu.vector_load_idx %arg9[%mul3A_204] : memref<48xf32, #tpu.memory_space<vmem>>[vector<16xi32>], vector<16xf32>,
      %mul3A_206 = arith.constant 3 : i32
      %mul3A_207 = vector.broadcast %mul3A_206 : i32 to vector<16xi32>
      %mul3A_208 = arith.muli %mul3A_207, %broadcast_in_dim3A_201 : vector<16xi32>
      %add3A_209 = arith.constant 1 : i32
      %add3A_210 = vector.broadcast %add3A_209 : i32 to vector<16xi32>
      %add3A_211 = arith.addi %mul3A_208, %add3A_210 : vector<16xi32>
      %gather3A_212 = tpu.vector_load_idx %arg9[%add3A_211] : memref<48xf32, #tpu.memory_space<vmem>>[vector<16xi32>], vector<16xf32>,
      %sub3A_213 = arith.subf %gather3A_212, %gather3A_205 : vector<16xf32>
      %parallel_loop3A_214 = arith.constant 0 : i32
      %parallel_loop3A_215 = arith.constant 80 : i32
      %parallel_loop3A_216 = arith.constant 1 : i32
      %parallel_loop3A_217:2 = scf.for %parallel_loop3A_239 = %parallel_loop3A_214 to %parallel_loop3A_215 step %parallel_loop3A_216 iter_args(%parallel_loop3A_240 = %broadcast_in_dim3A_50, %parallel_loop3A_241 = %broadcast_in_dim3A_52) -> (vector<16xf32>, vector<16xi32>)  : i32 {
        %parallel_loop3A_242 = arith.constant 16 : i32
        %parallel_loop3A_243 = arith.muli %parallel_loop3A_239, %parallel_loop3A_242 : i32
        %parallel_loop3A_244 = arith.index_cast %parallel_loop3A_243 : i32 to index
        %parallel_loop3A_245 = tpu.vector_load %arg10[%parallel_loop3A_244] {strides = array<i32>} : memref<1280xf32, #tpu.memory_space<vmem>>, vector<16xf32>,
        %parallel_loop3A_246 = arith.index_cast %parallel_loop3A_243 : i32 to index
        %parallel_loop3A_247 = tpu.vector_load %arg11[%parallel_loop3A_246] {strides = array<i32>} : memref<1280xf32, #tpu.memory_space<vmem>>, vector<16xf32>,
        %parallel_loop3A_248 = arith.index_cast %parallel_loop3A_243 : i32 to index
        %parallel_loop3A_249 = tpu.vector_load %arg12[%parallel_loop3A_248] {strides = array<i32>} : memref<1280xf32, #tpu.memory_space<vmem>>, vector<16xf32>,
        %parallel_loop3A_250 = arith.minimumf %gather3A_212, %parallel_loop3A_247 : vector<16xf32>
        %parallel_loop3A_251 = arith.maximumf %gather3A_205, %parallel_loop3A_245 : vector<16xf32>
        %parallel_loop3A_252 = arith.subf %parallel_loop3A_250, %parallel_loop3A_251 : vector<16xf32>
        %parallel_loop3A_253 = arith.constant 0.000000e+00 : f32
        %parallel_loop3A_254 = vector.broadcast %parallel_loop3A_253 : f32 to vector<16xf32>
        %parallel_loop3A_255 = arith.maximumf %parallel_loop3A_252, %parallel_loop3A_254 : vector<16xf32>
        %parallel_loop3A_256 = arith.addf %sub3A_213, %parallel_loop3A_249 : vector<16xf32>
        %parallel_loop3A_257 = arith.subf %parallel_loop3A_256, %parallel_loop3A_255 : vector<16xf32>
        %parallel_loop3A_258 = arith.constant 1.000000e-10 : f32
        %parallel_loop3A_259 = vector.broadcast %parallel_loop3A_258 : f32 to vector<16xf32>
        %parallel_loop3A_260 = arith.maximumf %parallel_loop3A_257, %parallel_loop3A_259 : vector<16xf32>
        %parallel_loop3A_261 = arith.divf %parallel_loop3A_255, %parallel_loop3A_260 : vector<16xf32>
        %parallel_loop3A_262 = arith.index_cast %parallel_loop3A_243 : i32 to index
        %parallel_loop3A_263 = tpu.vector_load %arg13[%parallel_loop3A_262] {strides = array<i32>} : memref<1280xf32, #tpu.memory_space<vmem>>, vector<16xf32>,
        %parallel_loop3A_264 = arith.cmpf ogt, %parallel_loop3A_261, %parallel_loop3A_263 : vector<16xf32>
        %parallel_loop3A_265 = arith.select %parallel_loop3A_264, %parallel_loop3A_261, %parallel_loop3A_263 : vector<16xi1>, vector<16xf32>
        %parallel_loop3A_266 = arith.index_cast %parallel_loop3A_243 : i32 to index
        %parallel_loop3A_267 = tpu.vector_load %arg13[%parallel_loop3A_266] {strides = array<i32>} : memref<1280xf32, #tpu.memory_space<vmem>>, vector<16xf32>,
        tpu.vector_store %arg13[%parallel_loop3A_266], %parallel_loop3A_265 {strides = array<i32>} : memref<1280xf32, #tpu.memory_space<vmem>>, vector<16xf32>,
        %parallel_loop3A_268 = arith.index_cast %parallel_loop3A_243 : i32 to index
        %parallel_loop3A_269 = tpu.vector_load %arg14[%parallel_loop3A_268] {strides = array<i32>} : memref<1280xi32, #tpu.memory_space<vmem>>, vector<16xi32>,
        %parallel_loop3A_270 = arith.select %parallel_loop3A_264, %broadcast_in_dim3A_201, %parallel_loop3A_269 : vector<16xi1>, vector<16xi32>
        %parallel_loop3A_271 = arith.index_cast %parallel_loop3A_243 : i32 to index
        %parallel_loop3A_272 = tpu.vector_load %arg14[%parallel_loop3A_271] {strides = array<i32>} : memref<1280xi32, #tpu.memory_space<vmem>>, vector<16xi32>,
        tpu.vector_store %arg14[%parallel_loop3A_271], %parallel_loop3A_270 {strides = array<i32>} : memref<1280xi32, #tpu.memory_space<vmem>>, vector<16xi32>,
        %parallel_loop3A_273 = arith.constant 16 : i32
        %parallel_loop3A_274 = arith.muli %parallel_loop3A_239, %parallel_loop3A_273 : i32
        %parallel_loop3A_275 = arith.addi %mul3A_37, %parallel_loop3A_274 : i32
        %parallel_loop3A_276 = vector.broadcast %parallel_loop3A_275 : i32 to vector<16xi32>
        %parallel_loop3A_277 = arith.addi %parallel_loop3A_276, %iota3A : vector<16xi32>
        %parallel_loop3A_278 = arith.cmpf ogt, %parallel_loop3A_261, %parallel_loop3A_240 : vector<16xf32>
        %parallel_loop3A_279 = arith.select %parallel_loop3A_278, %parallel_loop3A_261, %parallel_loop3A_240 : vector<16xi1>, vector<16xf32>
        %parallel_loop3A_280 = arith.select %parallel_loop3A_278, %parallel_loop3A_277, %parallel_loop3A_241 : vector<16xi1>, vector<16xi32>
        scf.yield %parallel_loop3A_279, %parallel_loop3A_280 : vector<16xf32>, vector<16xi32>
      } {sc.loop_unroll_factor = 8 : i64, sc.parallel_access}
      %reduce_max3A = arith.constant true
      %reduce_max3A_218 = vector.broadcast %reduce_max3A : i1 to vector<16xi1>
      %reduce_max3A_219 = tpu.scan <max>, %parallel_loop3A_217#0 masked %reduce_max3A_218 : vector<16xf32>, vector<16xi1> -> vector<16xf32>
      %reduce_max3A_220 = vector.extract %reduce_max3A_219[15] : f32 from vector<16xf32>
      %eq3A_221 = vector.broadcast %reduce_max3A_220 : f32 to vector<16xf32>
      %eq3A_222 = arith.cmpf oeq, %parallel_loop3A_217#0, %eq3A_221 : vector<16xf32>
      %jit3A_223 = arith.constant 1073741824 : i32
      %broadcast_in_dim3A_224 = vector.broadcast %jit3A_223 : i32 to vector<16xi32>
      %select_n3A_225 = arith.select %eq3A_222, %parallel_loop3A_217#1, %broadcast_in_dim3A_224 : vector<16xi1>, vector<16xi32>
      %reduce_min3A = arith.constant true
      %reduce_min3A_226 = vector.broadcast %reduce_min3A : i1 to vector<16xi1>
      %reduce_min3A_227 = arith.constant -2147483648 : i32
      %reduce_min3A_228 = vector.broadcast %reduce_min3A_227 : i32 to vector<16xi32>
      %reduce_min3A_229 = arith.xori %select_n3A_225, %reduce_min3A_228 : vector<16xi32>
      %reduce_min3A_230 = tpu.scan <min>, %reduce_min3A_229 masked %reduce_min3A_226 : vector<16xi32>, vector<16xi1> -> vector<16xi32>
      %reduce_min3A_231 = arith.xori %reduce_min3A_230, %reduce_min3A_228 : vector<16xi32>
      %reduce_min3A_232 = vector.extract %reduce_min3A_231[15] : i32 from vector<16xi32>
      %eq3A_233 = vector.broadcast %scan3A_198 : i32 to vector<16xi32>
      %eq3A_234 = arith.cmpi eq, %iota3A, %eq3A_233 : vector<16xi32>
      %broadcast_in_dim3A_235 = vector.broadcast %reduce_max3A_220 : f32 to vector<16xf32>
      %select_n3A_236 = arith.select %eq3A_234, %broadcast_in_dim3A_235, %scan3A_199 : vector<16xi1>, vector<16xf32>
      %broadcast_in_dim3A_237 = vector.broadcast %reduce_min3A_232 : i32 to vector<16xi32>
      %select_n3A_238 = arith.select %eq3A_234, %broadcast_in_dim3A_237, %scan3A_200 : vector<16xi1>, vector<16xi32>
      scf.yield %select_n3A_236, %select_n3A_238 : vector<16xf32>, vector<16xi32>
    }
    %scan3A_61 = arith.constant 16 : i32
    %swap3A = arith.constant 0 : index
    %swap3A_62 = tpu.vector_load %arg16[%swap3A] {strides = array<i32>} : memref<32xf32, #tpu.memory_space<vmem>>, vector<16xf32>,
    tpu.vector_store %arg16[%swap3A], %scan3A_60#0 {strides = array<i32>} : memref<32xf32, #tpu.memory_space<vmem>>, vector<16xf32>,
    %bitcast_convert_type3A = tpu.bitcast %scan3A_60#1 : vector<16xi32> -> vector<16xf32>
    %swap3A_63 = arith.constant 16 : index
    %swap3A_64 = tpu.vector_load %arg16[%swap3A_63] {strides = array<i32>} : memref<32xf32, #tpu.memory_space<vmem>>, vector<16xf32>,
    tpu.vector_store %arg16[%swap3A_63], %bitcast_convert_type3A {strides = array<i32>} : memref<32xf32, #tpu.memory_space<vmem>>, vector<16xf32>,
    %mul3A_65 = arith.constant 32 : i32
    %mul3A_66 = arith.muli %arg1, %mul3A_65 : i32
    "tpu.region"() ({
      %run_scoped3A = tpu.sem_alloc : memref<!tpu.dma_semaphore, #tpu.memory_space<semaphore_mem>>
      %dma_start3A = tpu.memref_slice %arg21[%mul3A_66] : memref<512xf32, #tpu.memory_space<vmem_shared>> -> memref<32xf32, #tpu.memory_space<vmem_shared>>
      %dma_start3A_198 = tpu.memref_slice %arg21[%mul3A_66] : memref<512xf32, #tpu.memory_space<vmem_shared>> -> memref<32xf32, #tpu.memory_space<vmem_shared>>
      tpu.enqueue_dma source(%arg16 : memref<32xf32, #tpu.memory_space<vmem>>) target(%dma_start3A_198 : memref<32xf32, #tpu.memory_space<vmem_shared>>) target_semaphore(%run_scoped3A : memref<!tpu.dma_semaphore, #tpu.memory_space<semaphore_mem>>)
      %dma_wait3A = tpu.memref_slice %arg21[%mul3A_66] : memref<512xf32, #tpu.memory_space<vmem_shared>> -> memref<32xf32, #tpu.memory_space<vmem_shared>>
      %dma_wait3A_199 = tpu.memref_slice %arg21[%mul3A_66] : memref<512xf32, #tpu.memory_space<vmem_shared>> -> memref<32xf32, #tpu.memory_space<vmem_shared>>
      tpu.wait_dma2 semaphore(%run_scoped3A : memref<!tpu.dma_semaphore, #tpu.memory_space<semaphore_mem>>) src(%arg16 : memref<32xf32, #tpu.memory_space<vmem>>) dst(%dma_wait3A_199 : memref<32xf32, #tpu.memory_space<vmem_shared>>)
      tpu.yield
    }) : () -> ()
    %barrier3A = arith.constant 0 : index
    tpu.barrier barrier_id(%barrier3A)
    %jit3A_67 = arith.constant 4 : i32
    %div3A_68 = arith.divsi %arg1, %jit3A_67 : i32
    %sign3A_69 = arith.constant 0 : i32
    %sign3A_70 = arith.cmpi sgt, %arg1, %sign3A_69 : i32
    %sign3A_71 = arith.extui %sign3A_70 : i1 to i32
    %sign3A_72 = arith.constant 0 : i32
    %sign3A_73 = arith.cmpi slt, %arg1, %sign3A_72 : i32
    %sign3A_74 = arith.extui %sign3A_73 : i1 to i32
    %sign3A_75 = arith.subi %sign3A_71, %sign3A_74 : i32
    %sign3A_76 = arith.constant 0 : i32
    %sign3A_77 = arith.cmpi sgt, %jit3A_67, %sign3A_76 : i32
    %sign3A_78 = arith.extui %sign3A_77 : i1 to i32
    %sign3A_79 = arith.constant 0 : i32
    %sign3A_80 = arith.cmpi slt, %jit3A_67, %sign3A_79 : i32
    %sign3A_81 = arith.extui %sign3A_80 : i1 to i32
    %sign3A_82 = arith.subi %sign3A_78, %sign3A_81 : i32
    %ne3A_83 = arith.cmpi ne, %sign3A_75, %sign3A_82 : i32
    %rem3A_84 = arith.remsi %arg1, %jit3A_67 : i32
    %ne3A_85 = arith.constant 0 : i32
    %ne3A_86 = arith.cmpi ne, %rem3A_84, %ne3A_85 : i32
    %and3A_87 = arith.andi %ne3A_83, %ne3A_86 : i1
    %sub3A_88 = arith.constant 1 : i32
    %sub3A_89 = arith.subi %div3A_68, %sub3A_88 : i32
    %select_n3A_90 = arith.select %and3A_87, %sub3A_89, %div3A_68 : i32
    %mul3A_91 = arith.constant 4 : i32
    %mul3A_92 = arith.muli %select_n3A_90, %mul3A_91 : i32
    %mul3A_93 = arith.constant 32 : i32
    %mul3A_94 = arith.muli %mul3A_92, %mul3A_93 : i32
    "tpu.region"() ({
      %run_scoped3A = tpu.sem_alloc : memref<!tpu.dma_semaphore, #tpu.memory_space<semaphore_mem>>
      %dma_start3A = tpu.memref_slice %arg21[%mul3A_94] : memref<512xf32, #tpu.memory_space<vmem_shared>> -> memref<32xf32, #tpu.memory_space<vmem_shared>>
      %dma_start3A_198 = tpu.memref_slice %arg21[%mul3A_94] : memref<512xf32, #tpu.memory_space<vmem_shared>> -> memref<32xf32, #tpu.memory_space<vmem_shared>>
      tpu.enqueue_dma source(%dma_start3A_198 : memref<32xf32, #tpu.memory_space<vmem_shared>>) target(%arg17 : memref<32xf32, #tpu.memory_space<vmem>>) target_semaphore(%run_scoped3A : memref<!tpu.dma_semaphore, #tpu.memory_space<semaphore_mem>>)
      %dma_wait3A = tpu.memref_slice %arg21[%mul3A_94] : memref<512xf32, #tpu.memory_space<vmem_shared>> -> memref<32xf32, #tpu.memory_space<vmem_shared>>
      %dma_wait3A_199 = tpu.memref_slice %arg21[%mul3A_94] : memref<512xf32, #tpu.memory_space<vmem_shared>> -> memref<32xf32, #tpu.memory_space<vmem_shared>>
      tpu.wait_dma2 semaphore(%run_scoped3A : memref<!tpu.dma_semaphore, #tpu.memory_space<semaphore_mem>>) src(%dma_wait3A_199 : memref<32xf32, #tpu.memory_space<vmem_shared>>) dst(%arg17 : memref<32xf32, #tpu.memory_space<vmem>>)
      tpu.yield
    }) : () -> ()
    %get3A = arith.constant 0 : index
    %get3A_95 = tpu.vector_load %arg17[%get3A] {strides = array<i32>} : memref<32xf32, #tpu.memory_space<vmem>>, vector<16xf32>,
    %get3A_96 = arith.constant 16 : index
    %get3A_97 = tpu.vector_load %arg17[%get3A_96] {strides = array<i32>} : memref<32xf32, #tpu.memory_space<vmem>>, vector<16xf32>,
    %bitcast_convert_type3A_98 = tpu.bitcast %get3A_97 : vector<16xf32> -> vector<16xi32>
    %add3A_99 = arith.constant 1 : i32
    %add3A_100 = arith.addi %mul3A_92, %add3A_99 : i32
    %mul3A_101 = arith.constant 32 : i32
    %mul3A_102 = arith.muli %add3A_100, %mul3A_101 : i32
    "tpu.region"() ({
      %run_scoped3A = tpu.sem_alloc : memref<!tpu.dma_semaphore, #tpu.memory_space<semaphore_mem>>
      %dma_start3A = tpu.memref_slice %arg21[%mul3A_102] : memref<512xf32, #tpu.memory_space<vmem_shared>> -> memref<32xf32, #tpu.memory_space<vmem_shared>>
      %dma_start3A_198 = tpu.memref_slice %arg21[%mul3A_102] : memref<512xf32, #tpu.memory_space<vmem_shared>> -> memref<32xf32, #tpu.memory_space<vmem_shared>>
      tpu.enqueue_dma source(%dma_start3A_198 : memref<32xf32, #tpu.memory_space<vmem_shared>>) target(%arg17 : memref<32xf32, #tpu.memory_space<vmem>>) target_semaphore(%run_scoped3A : memref<!tpu.dma_semaphore, #tpu.memory_space<semaphore_mem>>)
      %dma_wait3A = tpu.memref_slice %arg21[%mul3A_102] : memref<512xf32, #tpu.memory_space<vmem_shared>> -> memref<32xf32, #tpu.memory_space<vmem_shared>>
      %dma_wait3A_199 = tpu.memref_slice %arg21[%mul3A_102] : memref<512xf32, #tpu.memory_space<vmem_shared>> -> memref<32xf32, #tpu.memory_space<vmem_shared>>
      tpu.wait_dma2 semaphore(%run_scoped3A : memref<!tpu.dma_semaphore, #tpu.memory_space<semaphore_mem>>) src(%dma_wait3A_199 : memref<32xf32, #tpu.memory_space<vmem_shared>>) dst(%arg17 : memref<32xf32, #tpu.memory_space<vmem>>)
      tpu.yield
    }) : () -> ()
    %get3A_103 = arith.constant 0 : index
    %get3A_104 = tpu.vector_load %arg17[%get3A_103] {strides = array<i32>} : memref<32xf32, #tpu.memory_space<vmem>>, vector<16xf32>,
    %get3A_105 = arith.constant 16 : index
    %get3A_106 = tpu.vector_load %arg17[%get3A_105] {strides = array<i32>} : memref<32xf32, #tpu.memory_space<vmem>>, vector<16xf32>,
    %bitcast_convert_type3A_107 = tpu.bitcast %get3A_106 : vector<16xf32> -> vector<16xi32>
    %gt3A = arith.cmpf ogt, %get3A_104, %get3A_95 : vector<16xf32>
    %select_n3A_108 = arith.select %gt3A, %get3A_104, %get3A_95 : vector<16xi1>, vector<16xf32>
    %select_n3A_109 = arith.select %gt3A, %bitcast_convert_type3A_107, %bitcast_convert_type3A_98 : vector<16xi1>, vector<16xi32>
    %add3A_110 = arith.constant 2 : i32
    %add3A_111 = arith.addi %mul3A_92, %add3A_110 : i32
    %mul3A_112 = arith.constant 32 : i32
    %mul3A_113 = arith.muli %add3A_111, %mul3A_112 : i32
    "tpu.region"() ({
      %run_scoped3A = tpu.sem_alloc : memref<!tpu.dma_semaphore, #tpu.memory_space<semaphore_mem>>
      %dma_start3A = tpu.memref_slice %arg21[%mul3A_113] : memref<512xf32, #tpu.memory_space<vmem_shared>> -> memref<32xf32, #tpu.memory_space<vmem_shared>>
      %dma_start3A_198 = tpu.memref_slice %arg21[%mul3A_113] : memref<512xf32, #tpu.memory_space<vmem_shared>> -> memref<32xf32, #tpu.memory_space<vmem_shared>>
      tpu.enqueue_dma source(%dma_start3A_198 : memref<32xf32, #tpu.memory_space<vmem_shared>>) target(%arg17 : memref<32xf32, #tpu.memory_space<vmem>>) target_semaphore(%run_scoped3A : memref<!tpu.dma_semaphore, #tpu.memory_space<semaphore_mem>>)
      %dma_wait3A = tpu.memref_slice %arg21[%mul3A_113] : memref<512xf32, #tpu.memory_space<vmem_shared>> -> memref<32xf32, #tpu.memory_space<vmem_shared>>
      %dma_wait3A_199 = tpu.memref_slice %arg21[%mul3A_113] : memref<512xf32, #tpu.memory_space<vmem_shared>> -> memref<32xf32, #tpu.memory_space<vmem_shared>>
      tpu.wait_dma2 semaphore(%run_scoped3A : memref<!tpu.dma_semaphore, #tpu.memory_space<semaphore_mem>>) src(%dma_wait3A_199 : memref<32xf32, #tpu.memory_space<vmem_shared>>) dst(%arg17 : memref<32xf32, #tpu.memory_space<vmem>>)
      tpu.yield
    }) : () -> ()
    %get3A_114 = arith.constant 0 : index
    %get3A_115 = tpu.vector_load %arg17[%get3A_114] {strides = array<i32>} : memref<32xf32, #tpu.memory_space<vmem>>, vector<16xf32>,
    %get3A_116 = arith.constant 16 : index
    %get3A_117 = tpu.vector_load %arg17[%get3A_116] {strides = array<i32>} : memref<32xf32, #tpu.memory_space<vmem>>, vector<16xf32>,
    %bitcast_convert_type3A_118 = tpu.bitcast %get3A_117 : vector<16xf32> -> vector<16xi32>
    %gt3A_119 = arith.cmpf ogt, %get3A_115, %select_n3A_108 : vector<16xf32>
    %select_n3A_120 = arith.select %gt3A_119, %get3A_115, %select_n3A_108 : vector<16xi1>, vector<16xf32>
    %select_n3A_121 = arith.select %gt3A_119, %bitcast_convert_type3A_118, %select_n3A_109 : vector<16xi1>, vector<16xi32>
    %add3A_122 = arith.constant 3 : i32
    %add3A_123 = arith.addi %mul3A_92, %add3A_122 : i32
    %mul3A_124 = arith.constant 32 : i32
    %mul3A_125 = arith.muli %add3A_123, %mul3A_124 : i32
    "tpu.region"() ({
      %run_scoped3A = tpu.sem_alloc : memref<!tpu.dma_semaphore, #tpu.memory_space<semaphore_mem>>
      %dma_start3A = tpu.memref_slice %arg21[%mul3A_125] : memref<512xf32, #tpu.memory_space<vmem_shared>> -> memref<32xf32, #tpu.memory_space<vmem_shared>>
      %dma_start3A_198 = tpu.memref_slice %arg21[%mul3A_125] : memref<512xf32, #tpu.memory_space<vmem_shared>> -> memref<32xf32, #tpu.memory_space<vmem_shared>>
      tpu.enqueue_dma source(%dma_start3A_198 : memref<32xf32, #tpu.memory_space<vmem_shared>>) target(%arg17 : memref<32xf32, #tpu.memory_space<vmem>>) target_semaphore(%run_scoped3A : memref<!tpu.dma_semaphore, #tpu.memory_space<semaphore_mem>>)
      %dma_wait3A = tpu.memref_slice %arg21[%mul3A_125] : memref<512xf32, #tpu.memory_space<vmem_shared>> -> memref<32xf32, #tpu.memory_space<vmem_shared>>
      %dma_wait3A_199 = tpu.memref_slice %arg21[%mul3A_125] : memref<512xf32, #tpu.memory_space<vmem_shared>> -> memref<32xf32, #tpu.memory_space<vmem_shared>>
      tpu.wait_dma2 semaphore(%run_scoped3A : memref<!tpu.dma_semaphore, #tpu.memory_space<semaphore_mem>>) src(%dma_wait3A_199 : memref<32xf32, #tpu.memory_space<vmem_shared>>) dst(%arg17 : memref<32xf32, #tpu.memory_space<vmem>>)
      tpu.yield
    }) : () -> ()
    %get3A_126 = arith.constant 0 : index
    %get3A_127 = tpu.vector_load %arg17[%get3A_126] {strides = array<i32>} : memref<32xf32, #tpu.memory_space<vmem>>, vector<16xf32>,
    %get3A_128 = arith.constant 16 : index
    %get3A_129 = tpu.vector_load %arg17[%get3A_128] {strides = array<i32>} : memref<32xf32, #tpu.memory_space<vmem>>, vector<16xf32>,
    %bitcast_convert_type3A_130 = tpu.bitcast %get3A_129 : vector<16xf32> -> vector<16xi32>
    %gt3A_131 = arith.cmpf ogt, %get3A_127, %select_n3A_120 : vector<16xf32>
    %select_n3A_132 = arith.select %gt3A_131, %get3A_127, %select_n3A_120 : vector<16xi1>, vector<16xf32>
    %select_n3A_133 = arith.select %gt3A_131, %bitcast_convert_type3A_130, %select_n3A_121 : vector<16xi1>, vector<16xi32>
    %barrier3A_134 = arith.constant 0 : index
    tpu.barrier barrier_id(%barrier3A_134)
    %swap3A_135 = arith.constant 0 : index
    %swap3A_136 = tpu.vector_load %arg15[%swap3A_135] {strides = array<i32>} : memref<16xi32, #tpu.memory_space<vmem>>, vector<16xi32>,
    tpu.vector_store %arg15[%swap3A_135], %select_n3A_133 {strides = array<i32>} : memref<16xi32, #tpu.memory_space<vmem>>, vector<16xi32>,
    %broadcast_in_dim3A_137 = arith.constant 2.000000e+00 : f32
    %broadcast_in_dim3A_138 = vector.broadcast %broadcast_in_dim3A_137 : f32 to vector<16xf32>
    %scan3A_139 = arith.constant 0 : i32
    %scan3A_140 = arith.constant 0 : i32
    %scan3A_141 = arith.constant 16 : i32
    %scan3A_142 = arith.addi %scan3A_140, %scan3A_141 : i32
    %scan3A_143 = arith.constant 1 : i32
    %scan3A_144 = scf.for %scan3A_198 = %scan3A_140 to %scan3A_142 step %scan3A_143 iter_args(%scan3A_199 = %scan3A_139) -> (i32)  : i32 {
      %broadcast_in_dim3A_200 = vector.broadcast %scan3A_198 : i32 to vector<16xi32>
      %gather3A_201 = tpu.vector_load_idx %arg15[%broadcast_in_dim3A_200] : memref<16xi32, #tpu.memory_space<vmem>>[vector<16xi32>], vector<16xi32>,
      %sub3A_202 = vector.broadcast %mul3A_37 : i32 to vector<16xi32>
      %sub3A_203 = arith.subi %gather3A_201, %sub3A_202 : vector<16xi32>
      %eq3A_204 = vector.broadcast %scan3A_198 : i32 to vector<16xi32>
      %eq3A_205 = arith.cmpi eq, %iota3A, %eq3A_204 : vector<16xi32>
      %ge3A = arith.constant 0 : i32
      %ge3A_206 = vector.broadcast %ge3A : i32 to vector<16xi32>
      %ge3A_207 = arith.cmpi sge, %sub3A_203, %ge3A_206 : vector<16xi32>
      %lt3A_208 = arith.constant 1280 : i32
      %lt3A_209 = vector.broadcast %lt3A_208 : i32 to vector<16xi32>
      %lt3A_210 = arith.cmpi slt, %sub3A_203, %lt3A_209 : vector<16xi32>
      %and3A_211 = arith.andi %ge3A_207, %lt3A_210 : vector<16xi1>
      %and3A_212 = arith.andi %eq3A_205, %and3A_211 : vector<16xi1>
      %jit3A_213 = arith.constant 0 : i32
      %jit3A_214 = arith.constant 1279 : i32
      %max3A = vector.broadcast %jit3A_213 : i32 to vector<16xi32>
      %max3A_215 = arith.maxsi %max3A, %sub3A_203 : vector<16xi32>
      %min3A = vector.broadcast %jit3A_214 : i32 to vector<16xi32>
      %min3A_216 = arith.minsi %min3A, %max3A_215 : vector<16xi32>
      tpu.vector_store_idx %arg13[%min3A_216], %broadcast_in_dim3A_138 masked %and3A_212 : memref<1280xf32, #tpu.memory_space<vmem>>[vector<16xi32>], vector<16xf32>, vector<16xi1>
      tpu.vector_store_idx %arg14[%min3A_216], %broadcast_in_dim3A_200 masked %and3A_212 : memref<1280xi32, #tpu.memory_space<vmem>>[vector<16xi32>], vector<16xi32>, vector<16xi1>
      %scan3A_217 = arith.constant 0 : i32
      scf.yield %scan3A_217 : i32
    }
    %scan3A_145 = arith.constant 16 : i32
    %mul3A_146 = arith.constant 3 : i32
    %mul3A_147 = vector.broadcast %mul3A_146 : i32 to vector<16xi32>
    %mul3A_148 = arith.muli %mul3A_147, %iota3A : vector<16xi32>
    %gather3A = tpu.vector_load_idx %arg9[%mul3A_148] : memref<48xf32, #tpu.memory_space<vmem>>[vector<16xi32>], vector<16xf32>,
    %mul3A_149 = arith.constant 3 : i32
    %mul3A_150 = vector.broadcast %mul3A_149 : i32 to vector<16xi32>
    %mul3A_151 = arith.muli %mul3A_150, %iota3A : vector<16xi32>
    %add3A_152 = arith.constant 1 : i32
    %add3A_153 = vector.broadcast %add3A_152 : i32 to vector<16xi32>
    %add3A_154 = arith.addi %mul3A_151, %add3A_153 : vector<16xi32>
    %gather3A_155 = tpu.vector_load_idx %arg9[%add3A_154] : memref<48xf32, #tpu.memory_space<vmem>>[vector<16xi32>], vector<16xf32>,
    %add3A_156 = arith.addf %gather3A, %gather3A_155 : vector<16xf32>
    %div3A_157 = arith.constant 2.000000e+00 : f32
    %div3A_158 = vector.broadcast %div3A_157 : f32 to vector<16xf32>
    %div3A_159 = arith.divf %add3A_156, %div3A_158 : vector<16xf32>
    %swap3A_160 = arith.constant 0 : index
    %swap3A_161 = tpu.vector_load %arg18[%swap3A_160] {strides = array<i32>} : memref<16xf32, #tpu.memory_space<vmem>>, vector<16xf32>,
    tpu.vector_store %arg18[%swap3A_160], %div3A_159 {strides = array<i32>} : memref<16xf32, #tpu.memory_space<vmem>>, vector<16xf32>,
    %sub3A_162 = arith.subf %gather3A_155, %gather3A : vector<16xf32>
    %swap3A_163 = arith.constant 0 : index
    %swap3A_164 = tpu.vector_load %arg19[%swap3A_163] {strides = array<i32>} : memref<16xf32, #tpu.memory_space<vmem>>, vector<16xf32>,
    tpu.vector_store %arg19[%swap3A_163], %sub3A_162 {strides = array<i32>} : memref<16xf32, #tpu.memory_space<vmem>>, vector<16xf32>,
    %broadcast_in_dim3A_165 = arith.constant 0.000000e+00 : f32
    %broadcast_in_dim3A_166 = vector.broadcast %broadcast_in_dim3A_165 : f32 to vector<16xf32>
    %parallel_loop3A_167 = arith.constant 0 : i32
    %parallel_loop3A_168 = arith.constant 80 : i32
    %parallel_loop3A_169 = arith.constant 1 : i32
    %parallel_loop3A_170:2 = scf.for %parallel_loop3A_198 = %parallel_loop3A_167 to %parallel_loop3A_168 step %parallel_loop3A_169 iter_args(%parallel_loop3A_199 = %broadcast_in_dim3A_166, %parallel_loop3A_200 = %broadcast_in_dim3A_166) -> (vector<16xf32>, vector<16xf32>)  : i32 {
      %parallel_loop3A_201 = arith.constant 16 : i32
      %parallel_loop3A_202 = arith.muli %parallel_loop3A_198, %parallel_loop3A_201 : i32
      %parallel_loop3A_203 = arith.index_cast %parallel_loop3A_202 : i32 to index
      %parallel_loop3A_204 = tpu.vector_load %arg13[%parallel_loop3A_203] {strides = array<i32>} : memref<1280xf32, #tpu.memory_space<vmem>>, vector<16xf32>,
      %parallel_loop3A_205 = arith.index_cast %parallel_loop3A_202 : i32 to index
      %parallel_loop3A_206 = tpu.vector_load %arg14[%parallel_loop3A_205] {strides = array<i32>} : memref<1280xi32, #tpu.memory_space<vmem>>, vector<16xi32>,
      %parallel_loop3A_207 = arith.index_cast %parallel_loop3A_202 : i32 to index
      %parallel_loop3A_208 = tpu.vector_load %arg8[%parallel_loop3A_207] {strides = array<i32>} : memref<1280xf32, #tpu.memory_space<vmem>>, vector<16xf32>,
      %parallel_loop3A_209 = arith.index_cast %parallel_loop3A_202 : i32 to index
      %parallel_loop3A_210 = tpu.vector_load %arg4[%parallel_loop3A_209] {strides = array<i32>} : memref<1280xf32, #tpu.memory_space<vmem>>, vector<16xf32>,
      %parallel_loop3A_211 = arith.index_cast %parallel_loop3A_202 : i32 to index
      %parallel_loop3A_212 = tpu.vector_load %arg5[%parallel_loop3A_211] {strides = array<i32>} : memref<1280xf32, #tpu.memory_space<vmem>>, vector<16xf32>,
      %parallel_loop3A_213 = arith.index_cast %parallel_loop3A_202 : i32 to index
      %parallel_loop3A_214 = tpu.vector_load %arg6[%parallel_loop3A_213] {strides = array<i32>} : memref<1280xf32, #tpu.memory_space<vmem>>, vector<16xf32>,
      %parallel_loop3A_215 = arith.index_cast %parallel_loop3A_202 : i32 to index
      %parallel_loop3A_216 = tpu.vector_load %arg7[%parallel_loop3A_215] {strides = array<i32>} : memref<1280xf32, #tpu.memory_space<vmem>>, vector<16xf32>,
      %parallel_loop3A_217 = arith.constant 5.000000e-01 : f32
      %parallel_loop3A_218 = vector.broadcast %parallel_loop3A_217 : f32 to vector<16xf32>
      %parallel_loop3A_219 = arith.cmpf oge, %parallel_loop3A_204, %parallel_loop3A_218 : vector<16xf32>
      %parallel_loop3A_220 = arith.constant 0.000000e+00 : f32
      %parallel_loop3A_221 = vector.broadcast %parallel_loop3A_220 : f32 to vector<16xf32>
      %parallel_loop3A_222 = arith.cmpf oeq, %parallel_loop3A_208, %parallel_loop3A_221 : vector<16xf32>
      %parallel_loop3A_223 = arith.andi %parallel_loop3A_219, %parallel_loop3A_222 : vector<16xi1>
      %parallel_loop3A_224 = tpu.vector_load_idx %arg18[%parallel_loop3A_206] : memref<16xf32, #tpu.memory_space<vmem>>[vector<16xi32>], vector<16xf32>,
      %parallel_loop3A_225 = tpu.vector_load_idx %arg19[%parallel_loop3A_206] : memref<16xf32, #tpu.memory_space<vmem>>[vector<16xi32>], vector<16xf32>,
      %parallel_loop3A_226 = arith.subf %parallel_loop3A_224, %parallel_loop3A_210 : vector<16xf32>
      %parallel_loop3A_227 = arith.constant 1.000000e-01 : f32
      %parallel_loop3A_228 = vector.broadcast %parallel_loop3A_227 : f32 to vector<16xf32>
      %parallel_loop3A_229 = arith.mulf %parallel_loop3A_228, %parallel_loop3A_212 : vector<16xf32>
      %parallel_loop3A_230 = arith.divf %parallel_loop3A_226, %parallel_loop3A_229 : vector<16xf32>
      %parallel_loop3A_231 = arith.divf %parallel_loop3A_225, %parallel_loop3A_212 : vector<16xf32>
      %parallel_loop3A_232 = arith.constant 1.000000e-10 : f32
      %parallel_loop3A_233 = vector.broadcast %parallel_loop3A_232 : f32 to vector<16xf32>
      %parallel_loop3A_234 = arith.maximumf %parallel_loop3A_231, %parallel_loop3A_233 : vector<16xf32>
      %parallel_loop3A_235 = tpu.bitcast %parallel_loop3A_234 : vector<16xf32> -> vector<16xi32>
      %parallel_loop3A_236 = arith.constant 23 : i32
      %parallel_loop3A_237 = vector.broadcast %parallel_loop3A_236 : i32 to vector<16xi32>
      %parallel_loop3A_238 = arith.shrui %parallel_loop3A_235, %parallel_loop3A_237 : vector<16xi32>
      %parallel_loop3A_239 = arith.constant 127 : i32
      %parallel_loop3A_240 = vector.broadcast %parallel_loop3A_239 : i32 to vector<16xi32>
      %parallel_loop3A_241 = arith.subi %parallel_loop3A_238, %parallel_loop3A_240 : vector<16xi32>
      %parallel_loop3A_242 = arith.constant 8388607 : i32
      %parallel_loop3A_243 = vector.broadcast %parallel_loop3A_242 : i32 to vector<16xi32>
      %parallel_loop3A_244 = arith.andi %parallel_loop3A_235, %parallel_loop3A_243 : vector<16xi32>
      %parallel_loop3A_245 = arith.constant 1065353216 : i32
      %parallel_loop3A_246 = vector.broadcast %parallel_loop3A_245 : i32 to vector<16xi32>
      %parallel_loop3A_247 = arith.ori %parallel_loop3A_244, %parallel_loop3A_246 : vector<16xi32>
      %parallel_loop3A_248 = tpu.bitcast %parallel_loop3A_247 : vector<16xi32> -> vector<16xf32>
      %parallel_loop3A_249 = arith.constant 1.41421354 : f32
      %parallel_loop3A_250 = vector.broadcast %parallel_loop3A_249 : f32 to vector<16xf32>
      %parallel_loop3A_251 = arith.cmpf ogt, %parallel_loop3A_248, %parallel_loop3A_250 : vector<16xf32>
      %parallel_loop3A_252 = arith.constant 5.000000e-01 : f32
      %parallel_loop3A_253 = vector.broadcast %parallel_loop3A_252 : f32 to vector<16xf32>
      %parallel_loop3A_254 = arith.mulf %parallel_loop3A_248, %parallel_loop3A_253 : vector<16xf32>
      %parallel_loop3A_255 = arith.select %parallel_loop3A_251, %parallel_loop3A_254, %parallel_loop3A_248 : vector<16xi1>, vector<16xf32>
      %parallel_loop3A_256 = arith.constant 1 : i32
      %parallel_loop3A_257 = vector.broadcast %parallel_loop3A_256 : i32 to vector<16xi32>
      %parallel_loop3A_258 = arith.addi %parallel_loop3A_241, %parallel_loop3A_257 : vector<16xi32>
      %parallel_loop3A_259 = arith.select %parallel_loop3A_251, %parallel_loop3A_258, %parallel_loop3A_241 : vector<16xi1>, vector<16xi32>
      %parallel_loop3A_260 = arith.constant 1.000000e+00 : f32
      %parallel_loop3A_261 = vector.broadcast %parallel_loop3A_260 : f32 to vector<16xf32>
      %parallel_loop3A_262 = arith.subf %parallel_loop3A_255, %parallel_loop3A_261 : vector<16xf32>
      %parallel_loop3A_263 = arith.constant 1.000000e+00 : f32
      %parallel_loop3A_264 = vector.broadcast %parallel_loop3A_263 : f32 to vector<16xf32>
      %parallel_loop3A_265 = arith.addf %parallel_loop3A_255, %parallel_loop3A_264 : vector<16xf32>
      %parallel_loop3A_266 = arith.divf %parallel_loop3A_262, %parallel_loop3A_265 : vector<16xf32>
      %parallel_loop3A_267 = arith.mulf %parallel_loop3A_266, %parallel_loop3A_266 : vector<16xf32>
      %parallel_loop3A_268 = arith.constant 0.111111112 : f32
      %parallel_loop3A_269 = vector.broadcast %parallel_loop3A_268 : f32 to vector<16xf32>
      %parallel_loop3A_270 = arith.mulf %parallel_loop3A_267, %parallel_loop3A_269 : vector<16xf32>
      %parallel_loop3A_271 = arith.constant 0.142857149 : f32
      %parallel_loop3A_272 = vector.broadcast %parallel_loop3A_271 : f32 to vector<16xf32>
      %parallel_loop3A_273 = arith.addf %parallel_loop3A_272, %parallel_loop3A_270 : vector<16xf32>
      %parallel_loop3A_274 = arith.mulf %parallel_loop3A_267, %parallel_loop3A_273 : vector<16xf32>
      %parallel_loop3A_275 = arith.constant 2.000000e-01 : f32
      %parallel_loop3A_276 = vector.broadcast %parallel_loop3A_275 : f32 to vector<16xf32>
      %parallel_loop3A_277 = arith.addf %parallel_loop3A_276, %parallel_loop3A_274 : vector<16xf32>
      %parallel_loop3A_278 = arith.mulf %parallel_loop3A_267, %parallel_loop3A_277 : vector<16xf32>
      %parallel_loop3A_279 = arith.constant 0.333333343 : f32
      %parallel_loop3A_280 = vector.broadcast %parallel_loop3A_279 : f32 to vector<16xf32>
      %parallel_loop3A_281 = arith.addf %parallel_loop3A_280, %parallel_loop3A_278 : vector<16xf32>
      %parallel_loop3A_282 = arith.mulf %parallel_loop3A_267, %parallel_loop3A_281 : vector<16xf32>
      %parallel_loop3A_283 = arith.constant 1.000000e+00 : f32
      %parallel_loop3A_284 = vector.broadcast %parallel_loop3A_283 : f32 to vector<16xf32>
      %parallel_loop3A_285 = arith.addf %parallel_loop3A_284, %parallel_loop3A_282 : vector<16xf32>
      %parallel_loop3A_286 = arith.sitofp %parallel_loop3A_259 : vector<16xi32> to vector<16xf32>
      %parallel_loop3A_287 = arith.constant 0.693147182 : f32
      %parallel_loop3A_288 = vector.broadcast %parallel_loop3A_287 : f32 to vector<16xf32>
      %parallel_loop3A_289 = arith.mulf %parallel_loop3A_286, %parallel_loop3A_288 : vector<16xf32>
      %parallel_loop3A_290 = arith.constant 2.000000e+00 : f32
      %parallel_loop3A_291 = vector.broadcast %parallel_loop3A_290 : f32 to vector<16xf32>
      %parallel_loop3A_292 = arith.mulf %parallel_loop3A_291, %parallel_loop3A_266 : vector<16xf32>
      %parallel_loop3A_293 = arith.mulf %parallel_loop3A_292, %parallel_loop3A_285 : vector<16xf32>
      %parallel_loop3A_294 = arith.addf %parallel_loop3A_289, %parallel_loop3A_293 : vector<16xf32>
      %parallel_loop3A_295 = arith.constant 2.000000e-01 : f32
      %parallel_loop3A_296 = vector.broadcast %parallel_loop3A_295 : f32 to vector<16xf32>
      %parallel_loop3A_297 = arith.divf %parallel_loop3A_294, %parallel_loop3A_296 : vector<16xf32>
      %parallel_loop3A_298 = arith.subf %parallel_loop3A_214, %parallel_loop3A_230 : vector<16xf32>
      %parallel_loop3A_299 = arith.subf %parallel_loop3A_216, %parallel_loop3A_297 : vector<16xf32>
      %parallel_loop3A_300 = math.absf %parallel_loop3A_298 : vector<16xf32>
      %parallel_loop3A_301 = math.absf %parallel_loop3A_299 : vector<16xf32>
      %parallel_loop3A_302 = arith.constant 1.000000e+00 : f32
      %parallel_loop3A_303 = vector.broadcast %parallel_loop3A_302 : f32 to vector<16xf32>
      %parallel_loop3A_304 = arith.cmpf olt, %parallel_loop3A_300, %parallel_loop3A_303 : vector<16xf32>
      %parallel_loop3A_305 = arith.constant 5.000000e-01 : f32
      %parallel_loop3A_306 = vector.broadcast %parallel_loop3A_305 : f32 to vector<16xf32>
      %parallel_loop3A_307 = arith.mulf %parallel_loop3A_306, %parallel_loop3A_300 : vector<16xf32>
      %parallel_loop3A_308 = arith.mulf %parallel_loop3A_307, %parallel_loop3A_300 : vector<16xf32>
      %parallel_loop3A_309 = arith.constant 5.000000e-01 : f32
      %parallel_loop3A_310 = vector.broadcast %parallel_loop3A_309 : f32 to vector<16xf32>
      %parallel_loop3A_311 = arith.subf %parallel_loop3A_300, %parallel_loop3A_310 : vector<16xf32>
      %parallel_loop3A_312 = arith.select %parallel_loop3A_304, %parallel_loop3A_308, %parallel_loop3A_311 : vector<16xi1>, vector<16xf32>
      %parallel_loop3A_313 = arith.constant 1.000000e+00 : f32
      %parallel_loop3A_314 = vector.broadcast %parallel_loop3A_313 : f32 to vector<16xf32>
      %parallel_loop3A_315 = arith.cmpf olt, %parallel_loop3A_301, %parallel_loop3A_314 : vector<16xf32>
      %parallel_loop3A_316 = arith.constant 5.000000e-01 : f32
      %parallel_loop3A_317 = vector.broadcast %parallel_loop3A_316 : f32 to vector<16xf32>
      %parallel_loop3A_318 = arith.mulf %parallel_loop3A_317, %parallel_loop3A_301 : vector<16xf32>
      %parallel_loop3A_319 = arith.mulf %parallel_loop3A_318, %parallel_loop3A_301 : vector<16xf32>
      %parallel_loop3A_320 = arith.constant 5.000000e-01 : f32
      %parallel_loop3A_321 = vector.broadcast %parallel_loop3A_320 : f32 to vector<16xf32>
      %parallel_loop3A_322 = arith.subf %parallel_loop3A_301, %parallel_loop3A_321 : vector<16xf32>
      %parallel_loop3A_323 = arith.select %parallel_loop3A_315, %parallel_loop3A_319, %parallel_loop3A_322 : vector<16xi1>, vector<16xf32>
      %parallel_loop3A_324 = arith.addf %parallel_loop3A_312, %parallel_loop3A_323 : vector<16xf32>
      %parallel_loop3A_325 = arith.constant 0.000000e+00 : f32
      %parallel_loop3A_326 = vector.broadcast %parallel_loop3A_325 : f32 to vector<16xf32>
      %parallel_loop3A_327 = arith.select %parallel_loop3A_223, %parallel_loop3A_324, %parallel_loop3A_326 : vector<16xi1>, vector<16xf32>
      %parallel_loop3A_328 = arith.addf %parallel_loop3A_199, %parallel_loop3A_327 : vector<16xf32>
      %parallel_loop3A_329 = arith.constant 1.000000e+00 : f32
      %parallel_loop3A_330 = arith.constant 0.000000e+00 : f32
      %parallel_loop3A_331 = vector.broadcast %parallel_loop3A_329 : f32 to vector<16xf32>
      %parallel_loop3A_332 = vector.broadcast %parallel_loop3A_330 : f32 to vector<16xf32>
      %parallel_loop3A_333 = arith.select %parallel_loop3A_223, %parallel_loop3A_331, %parallel_loop3A_332 : vector<16xi1>, vector<16xf32>
      %parallel_loop3A_334 = arith.addf %parallel_loop3A_200, %parallel_loop3A_333 : vector<16xf32>
      scf.yield %parallel_loop3A_328, %parallel_loop3A_334 : vector<16xf32>, vector<16xf32>
    } {sc.loop_unroll_factor = 2 : i64, sc.parallel_access}
    %reduce_sum3A = arith.constant true
    %reduce_sum3A_171 = vector.broadcast %reduce_sum3A : i1 to vector<16xi1>
    %reduce_sum3A_172 = tpu.scan <sum>, %parallel_loop3A_170#0 masked %reduce_sum3A_171 : vector<16xf32>, vector<16xi1> -> vector<16xf32>
    %reduce_sum3A_173 = vector.extract %reduce_sum3A_172[15] : f32 from vector<16xf32>
    %reduce_sum3A_174 = arith.constant true
    %reduce_sum3A_175 = vector.broadcast %reduce_sum3A_174 : i1 to vector<16xi1>
    %reduce_sum3A_176 = tpu.scan <sum>, %parallel_loop3A_170#1 masked %reduce_sum3A_175 : vector<16xf32>, vector<16xi1> -> vector<16xf32>
    %reduce_sum3A_177 = vector.extract %reduce_sum3A_176[15] : f32 from vector<16xf32>
    %eq3A_178 = arith.constant 0 : i32
    %eq3A_179 = vector.broadcast %eq3A_178 : i32 to vector<16xi32>
    %eq3A_180 = arith.cmpi eq, %iota3A, %eq3A_179 : vector<16xi32>
    %eq3A_181 = arith.constant 1 : i32
    %eq3A_182 = vector.broadcast %eq3A_181 : i32 to vector<16xi32>
    %eq3A_183 = arith.cmpi eq, %iota3A, %eq3A_182 : vector<16xi32>
    %jit3A_184 = arith.constant 0.000000e+00 : f32
    %broadcast_in_dim3A_185 = vector.broadcast %reduce_sum3A_177 : f32 to vector<16xf32>
    %broadcast_in_dim3A_186 = vector.broadcast %jit3A_184 : f32 to vector<16xf32>
    %select_n3A_187 = arith.select %eq3A_183, %broadcast_in_dim3A_185, %broadcast_in_dim3A_186 : vector<16xi1>, vector<16xf32>
    %broadcast_in_dim3A_188 = vector.broadcast %reduce_sum3A_173 : f32 to vector<16xf32>
    %select_n3A_189 = arith.select %eq3A_180, %broadcast_in_dim3A_188, %select_n3A_187 : vector<16xi1>, vector<16xf32>
    %swap3A_190 = arith.constant 0 : index
    %swap3A_191 = tpu.vector_load %arg16[%swap3A_190] {strides = array<i32>} : memref<32xf32, #tpu.memory_space<vmem>>, vector<16xf32>,
    tpu.vector_store %arg16[%swap3A_190], %select_n3A_189 {strides = array<i32>} : memref<32xf32, #tpu.memory_space<vmem>>, vector<16xf32>,
    %mul3A_192 = arith.constant 32 : i32
    %mul3A_193 = arith.muli %arg1, %mul3A_192 : i32
    "tpu.region"() ({
      %run_scoped3A = tpu.sem_alloc : memref<!tpu.dma_semaphore, #tpu.memory_space<semaphore_mem>>
      %dma_start3A = tpu.memref_slice %arg21[%mul3A_193] : memref<512xf32, #tpu.memory_space<vmem_shared>> -> memref<32xf32, #tpu.memory_space<vmem_shared>>
      %dma_start3A_198 = tpu.memref_slice %arg21[%mul3A_193] : memref<512xf32, #tpu.memory_space<vmem_shared>> -> memref<32xf32, #tpu.memory_space<vmem_shared>>
      tpu.enqueue_dma source(%arg16 : memref<32xf32, #tpu.memory_space<vmem>>) target(%dma_start3A_198 : memref<32xf32, #tpu.memory_space<vmem_shared>>) target_semaphore(%run_scoped3A : memref<!tpu.dma_semaphore, #tpu.memory_space<semaphore_mem>>)
      %dma_wait3A = tpu.memref_slice %arg21[%mul3A_193] : memref<512xf32, #tpu.memory_space<vmem_shared>> -> memref<32xf32, #tpu.memory_space<vmem_shared>>
      %dma_wait3A_199 = tpu.memref_slice %arg21[%mul3A_193] : memref<512xf32, #tpu.memory_space<vmem_shared>> -> memref<32xf32, #tpu.memory_space<vmem_shared>>
      tpu.wait_dma2 semaphore(%run_scoped3A : memref<!tpu.dma_semaphore, #tpu.memory_space<semaphore_mem>>) src(%arg16 : memref<32xf32, #tpu.memory_space<vmem>>) dst(%dma_wait3A_199 : memref<32xf32, #tpu.memory_space<vmem_shared>>)
      tpu.yield
    }) : () -> ()
    %barrier3A_194 = arith.constant 0 : index
    tpu.barrier barrier_id(%barrier3A_194)
    %eq3A_195 = arith.constant 0 : i32
    %eq3A_196 = arith.cmpi eq, %arg1, %eq3A_195 : i32
    %convert_element_type3A = arith.extui %eq3A_196 : i1 to i32
    %cond3A = arith.constant 0 : i32
    %cond3A_197 = arith.cmpi ne, %convert_element_type3A, %cond3A : i32
    scf.if %cond3A_197 {
      %broadcast_in_dim3A_198 = arith.constant 0.000000e+00 : f32
      %broadcast_in_dim3A_199 = vector.broadcast %broadcast_in_dim3A_198 : f32 to vector<16xf32>
      "tpu.region"() ({
        %run_scoped3A = tpu.sem_alloc : memref<!tpu.dma_semaphore, #tpu.memory_space<semaphore_mem>>
        %dma_start3A = arith.constant 0 : i32
        %dma_start3A_252 = tpu.memref_slice %arg21[%dma_start3A] : memref<512xf32, #tpu.memory_space<vmem_shared>> -> memref<32xf32, #tpu.memory_space<vmem_shared>>
        %dma_start3A_253 = arith.constant 0 : i32
        %dma_start3A_254 = tpu.memref_slice %arg21[%dma_start3A_253] : memref<512xf32, #tpu.memory_space<vmem_shared>> -> memref<32xf32, #tpu.memory_space<vmem_shared>>
        tpu.enqueue_dma source(%dma_start3A_254 : memref<32xf32, #tpu.memory_space<vmem_shared>>) target(%arg17 : memref<32xf32, #tpu.memory_space<vmem>>) target_semaphore(%run_scoped3A : memref<!tpu.dma_semaphore, #tpu.memory_space<semaphore_mem>>)
        %dma_wait3A = arith.constant 0 : i32
        %dma_wait3A_255 = tpu.memref_slice %arg21[%dma_wait3A] : memref<512xf32, #tpu.memory_space<vmem_shared>> -> memref<32xf32, #tpu.memory_space<vmem_shared>>
        %dma_wait3A_256 = arith.constant 0 : i32
        %dma_wait3A_257 = tpu.memref_slice %arg21[%dma_wait3A_256] : memref<512xf32, #tpu.memory_space<vmem_shared>> -> memref<32xf32, #tpu.memory_space<vmem_shared>>
        tpu.wait_dma2 semaphore(%run_scoped3A : memref<!tpu.dma_semaphore, #tpu.memory_space<semaphore_mem>>) src(%dma_wait3A_257 : memref<32xf32, #tpu.memory_space<vmem_shared>>) dst(%arg17 : memref<32xf32, #tpu.memory_space<vmem>>)
        tpu.yield
      }) : () -> ()
      %get3A_200 = arith.constant 0 : index
      %get3A_201 = tpu.vector_load %arg17[%get3A_200] {strides = array<i32>} : memref<32xf32, #tpu.memory_space<vmem>>, vector<16xf32>,
      %add3A_202 = arith.addf %broadcast_in_dim3A_199, %get3A_201 : vector<16xf32>
      "tpu.region"() ({
        %run_scoped3A = tpu.sem_alloc : memref<!tpu.dma_semaphore, #tpu.memory_space<semaphore_mem>>
        %dma_start3A = arith.constant 32 : i32
        %dma_start3A_252 = tpu.memref_slice %arg21[%dma_start3A] : memref<512xf32, #tpu.memory_space<vmem_shared>> -> memref<32xf32, #tpu.memory_space<vmem_shared>>
        %dma_start3A_253 = arith.constant 32 : i32
        %dma_start3A_254 = tpu.memref_slice %arg21[%dma_start3A_253] : memref<512xf32, #tpu.memory_space<vmem_shared>> -> memref<32xf32, #tpu.memory_space<vmem_shared>>
        tpu.enqueue_dma source(%dma_start3A_254 : memref<32xf32, #tpu.memory_space<vmem_shared>>) target(%arg17 : memref<32xf32, #tpu.memory_space<vmem>>) target_semaphore(%run_scoped3A : memref<!tpu.dma_semaphore, #tpu.memory_space<semaphore_mem>>)
        %dma_wait3A = arith.constant 32 : i32
        %dma_wait3A_255 = tpu.memref_slice %arg21[%dma_wait3A] : memref<512xf32, #tpu.memory_space<vmem_shared>> -> memref<32xf32, #tpu.memory_space<vmem_shared>>
        %dma_wait3A_256 = arith.constant 32 : i32
        %dma_wait3A_257 = tpu.memref_slice %arg21[%dma_wait3A_256] : memref<512xf32, #tpu.memory_space<vmem_shared>> -> memref<32xf32, #tpu.memory_space<vmem_shared>>
        tpu.wait_dma2 semaphore(%run_scoped3A : memref<!tpu.dma_semaphore, #tpu.memory_space<semaphore_mem>>) src(%dma_wait3A_257 : memref<32xf32, #tpu.memory_space<vmem_shared>>) dst(%arg17 : memref<32xf32, #tpu.memory_space<vmem>>)
        tpu.yield
      }) : () -> ()
      %get3A_203 = arith.constant 0 : index
      %get3A_204 = tpu.vector_load %arg17[%get3A_203] {strides = array<i32>} : memref<32xf32, #tpu.memory_space<vmem>>, vector<16xf32>,
      %add3A_205 = arith.addf %add3A_202, %get3A_204 : vector<16xf32>
      "tpu.region"() ({
        %run_scoped3A = tpu.sem_alloc : memref<!tpu.dma_semaphore, #tpu.memory_space<semaphore_mem>>
        %dma_start3A = arith.constant 64 : i32
        %dma_start3A_252 = tpu.memref_slice %arg21[%dma_start3A] : memref<512xf32, #tpu.memory_space<vmem_shared>> -> memref<32xf32, #tpu.memory_space<vmem_shared>>
        %dma_start3A_253 = arith.constant 64 : i32
        %dma_start3A_254 = tpu.memref_slice %arg21[%dma_start3A_253] : memref<512xf32, #tpu.memory_space<vmem_shared>> -> memref<32xf32, #tpu.memory_space<vmem_shared>>
        tpu.enqueue_dma source(%dma_start3A_254 : memref<32xf32, #tpu.memory_space<vmem_shared>>) target(%arg17 : memref<32xf32, #tpu.memory_space<vmem>>) target_semaphore(%run_scoped3A : memref<!tpu.dma_semaphore, #tpu.memory_space<semaphore_mem>>)
        %dma_wait3A = arith.constant 64 : i32
        %dma_wait3A_255 = tpu.memref_slice %arg21[%dma_wait3A] : memref<512xf32, #tpu.memory_space<vmem_shared>> -> memref<32xf32, #tpu.memory_space<vmem_shared>>
        %dma_wait3A_256 = arith.constant 64 : i32
        %dma_wait3A_257 = tpu.memref_slice %arg21[%dma_wait3A_256] : memref<512xf32, #tpu.memory_space<vmem_shared>> -> memref<32xf32, #tpu.memory_space<vmem_shared>>
        tpu.wait_dma2 semaphore(%run_scoped3A : memref<!tpu.dma_semaphore, #tpu.memory_space<semaphore_mem>>) src(%dma_wait3A_257 : memref<32xf32, #tpu.memory_space<vmem_shared>>) dst(%arg17 : memref<32xf32, #tpu.memory_space<vmem>>)
        tpu.yield
      }) : () -> ()
      %get3A_206 = arith.constant 0 : index
      %get3A_207 = tpu.vector_load %arg17[%get3A_206] {strides = array<i32>} : memref<32xf32, #tpu.memory_space<vmem>>, vector<16xf32>,
      %add3A_208 = arith.addf %add3A_205, %get3A_207 : vector<16xf32>
      "tpu.region"() ({
        %run_scoped3A = tpu.sem_alloc : memref<!tpu.dma_semaphore, #tpu.memory_space<semaphore_mem>>
        %dma_start3A = arith.constant 96 : i32
        %dma_start3A_252 = tpu.memref_slice %arg21[%dma_start3A] : memref<512xf32, #tpu.memory_space<vmem_shared>> -> memref<32xf32, #tpu.memory_space<vmem_shared>>
        %dma_start3A_253 = arith.constant 96 : i32
        %dma_start3A_254 = tpu.memref_slice %arg21[%dma_start3A_253] : memref<512xf32, #tpu.memory_space<vmem_shared>> -> memref<32xf32, #tpu.memory_space<vmem_shared>>
        tpu.enqueue_dma source(%dma_start3A_254 : memref<32xf32, #tpu.memory_space<vmem_shared>>) target(%arg17 : memref<32xf32, #tpu.memory_space<vmem>>) target_semaphore(%run_scoped3A : memref<!tpu.dma_semaphore, #tpu.memory_space<semaphore_mem>>)
        %dma_wait3A = arith.constant 96 : i32
        %dma_wait3A_255 = tpu.memref_slice %arg21[%dma_wait3A] : memref<512xf32, #tpu.memory_space<vmem_shared>> -> memref<32xf32, #tpu.memory_space<vmem_shared>>
        %dma_wait3A_256 = arith.constant 96 : i32
        %dma_wait3A_257 = tpu.memref_slice %arg21[%dma_wait3A_256] : memref<512xf32, #tpu.memory_space<vmem_shared>> -> memref<32xf32, #tpu.memory_space<vmem_shared>>
        tpu.wait_dma2 semaphore(%run_scoped3A : memref<!tpu.dma_semaphore, #tpu.memory_space<semaphore_mem>>) src(%dma_wait3A_257 : memref<32xf32, #tpu.memory_space<vmem_shared>>) dst(%arg17 : memref<32xf32, #tpu.memory_space<vmem>>)
        tpu.yield
      }) : () -> ()
      %get3A_209 = arith.constant 0 : index
      %get3A_210 = tpu.vector_load %arg17[%get3A_209] {strides = array<i32>} : memref<32xf32, #tpu.memory_space<vmem>>, vector<16xf32>,
      %add3A_211 = arith.addf %add3A_208, %get3A_210 : vector<16xf32>
      "tpu.region"() ({
        %run_scoped3A = tpu.sem_alloc : memref<!tpu.dma_semaphore, #tpu.memory_space<semaphore_mem>>
        %dma_start3A = arith.constant 128 : i32
        %dma_start3A_252 = tpu.memref_slice %arg21[%dma_start3A] : memref<512xf32, #tpu.memory_space<vmem_shared>> -> memref<32xf32, #tpu.memory_space<vmem_shared>>
        %dma_start3A_253 = arith.constant 128 : i32
        %dma_start3A_254 = tpu.memref_slice %arg21[%dma_start3A_253] : memref<512xf32, #tpu.memory_space<vmem_shared>> -> memref<32xf32, #tpu.memory_space<vmem_shared>>
        tpu.enqueue_dma source(%dma_start3A_254 : memref<32xf32, #tpu.memory_space<vmem_shared>>) target(%arg17 : memref<32xf32, #tpu.memory_space<vmem>>) target_semaphore(%run_scoped3A : memref<!tpu.dma_semaphore, #tpu.memory_space<semaphore_mem>>)
        %dma_wait3A = arith.constant 128 : i32
        %dma_wait3A_255 = tpu.memref_slice %arg21[%dma_wait3A] : memref<512xf32, #tpu.memory_space<vmem_shared>> -> memref<32xf32, #tpu.memory_space<vmem_shared>>
        %dma_wait3A_256 = arith.constant 128 : i32
        %dma_wait3A_257 = tpu.memref_slice %arg21[%dma_wait3A_256] : memref<512xf32, #tpu.memory_space<vmem_shared>> -> memref<32xf32, #tpu.memory_space<vmem_shared>>
        tpu.wait_dma2 semaphore(%run_scoped3A : memref<!tpu.dma_semaphore, #tpu.memory_space<semaphore_mem>>) src(%dma_wait3A_257 : memref<32xf32, #tpu.memory_space<vmem_shared>>) dst(%arg17 : memref<32xf32, #tpu.memory_space<vmem>>)
        tpu.yield
      }) : () -> ()
      %get3A_212 = arith.constant 0 : index
      %get3A_213 = tpu.vector_load %arg17[%get3A_212] {strides = array<i32>} : memref<32xf32, #tpu.memory_space<vmem>>, vector<16xf32>,
      %add3A_214 = arith.addf %add3A_211, %get3A_213 : vector<16xf32>
      "tpu.region"() ({
        %run_scoped3A = tpu.sem_alloc : memref<!tpu.dma_semaphore, #tpu.memory_space<semaphore_mem>>
        %dma_start3A = arith.constant 160 : i32
        %dma_start3A_252 = tpu.memref_slice %arg21[%dma_start3A] : memref<512xf32, #tpu.memory_space<vmem_shared>> -> memref<32xf32, #tpu.memory_space<vmem_shared>>
        %dma_start3A_253 = arith.constant 160 : i32
        %dma_start3A_254 = tpu.memref_slice %arg21[%dma_start3A_253] : memref<512xf32, #tpu.memory_space<vmem_shared>> -> memref<32xf32, #tpu.memory_space<vmem_shared>>
        tpu.enqueue_dma source(%dma_start3A_254 : memref<32xf32, #tpu.memory_space<vmem_shared>>) target(%arg17 : memref<32xf32, #tpu.memory_space<vmem>>) target_semaphore(%run_scoped3A : memref<!tpu.dma_semaphore, #tpu.memory_space<semaphore_mem>>)
        %dma_wait3A = arith.constant 160 : i32
        %dma_wait3A_255 = tpu.memref_slice %arg21[%dma_wait3A] : memref<512xf32, #tpu.memory_space<vmem_shared>> -> memref<32xf32, #tpu.memory_space<vmem_shared>>
        %dma_wait3A_256 = arith.constant 160 : i32
        %dma_wait3A_257 = tpu.memref_slice %arg21[%dma_wait3A_256] : memref<512xf32, #tpu.memory_space<vmem_shared>> -> memref<32xf32, #tpu.memory_space<vmem_shared>>
        tpu.wait_dma2 semaphore(%run_scoped3A : memref<!tpu.dma_semaphore, #tpu.memory_space<semaphore_mem>>) src(%dma_wait3A_257 : memref<32xf32, #tpu.memory_space<vmem_shared>>) dst(%arg17 : memref<32xf32, #tpu.memory_space<vmem>>)
        tpu.yield
      }) : () -> ()
      %get3A_215 = arith.constant 0 : index
      %get3A_216 = tpu.vector_load %arg17[%get3A_215] {strides = array<i32>} : memref<32xf32, #tpu.memory_space<vmem>>, vector<16xf32>,
      %add3A_217 = arith.addf %add3A_214, %get3A_216 : vector<16xf32>
      "tpu.region"() ({
        %run_scoped3A = tpu.sem_alloc : memref<!tpu.dma_semaphore, #tpu.memory_space<semaphore_mem>>
        %dma_start3A = arith.constant 192 : i32
        %dma_start3A_252 = tpu.memref_slice %arg21[%dma_start3A] : memref<512xf32, #tpu.memory_space<vmem_shared>> -> memref<32xf32, #tpu.memory_space<vmem_shared>>
        %dma_start3A_253 = arith.constant 192 : i32
        %dma_start3A_254 = tpu.memref_slice %arg21[%dma_start3A_253] : memref<512xf32, #tpu.memory_space<vmem_shared>> -> memref<32xf32, #tpu.memory_space<vmem_shared>>
        tpu.enqueue_dma source(%dma_start3A_254 : memref<32xf32, #tpu.memory_space<vmem_shared>>) target(%arg17 : memref<32xf32, #tpu.memory_space<vmem>>) target_semaphore(%run_scoped3A : memref<!tpu.dma_semaphore, #tpu.memory_space<semaphore_mem>>)
        %dma_wait3A = arith.constant 192 : i32
        %dma_wait3A_255 = tpu.memref_slice %arg21[%dma_wait3A] : memref<512xf32, #tpu.memory_space<vmem_shared>> -> memref<32xf32, #tpu.memory_space<vmem_shared>>
        %dma_wait3A_256 = arith.constant 192 : i32
        %dma_wait3A_257 = tpu.memref_slice %arg21[%dma_wait3A_256] : memref<512xf32, #tpu.memory_space<vmem_shared>> -> memref<32xf32, #tpu.memory_space<vmem_shared>>
        tpu.wait_dma2 semaphore(%run_scoped3A : memref<!tpu.dma_semaphore, #tpu.memory_space<semaphore_mem>>) src(%dma_wait3A_257 : memref<32xf32, #tpu.memory_space<vmem_shared>>) dst(%arg17 : memref<32xf32, #tpu.memory_space<vmem>>)
        tpu.yield
      }) : () -> ()
      %get3A_218 = arith.constant 0 : index
      %get3A_219 = tpu.vector_load %arg17[%get3A_218] {strides = array<i32>} : memref<32xf32, #tpu.memory_space<vmem>>, vector<16xf32>,
      %add3A_220 = arith.addf %add3A_217, %get3A_219 : vector<16xf32>
      "tpu.region"() ({
        %run_scoped3A = tpu.sem_alloc : memref<!tpu.dma_semaphore, #tpu.memory_space<semaphore_mem>>
        %dma_start3A = arith.constant 224 : i32
        %dma_start3A_252 = tpu.memref_slice %arg21[%dma_start3A] : memref<512xf32, #tpu.memory_space<vmem_shared>> -> memref<32xf32, #tpu.memory_space<vmem_shared>>
        %dma_start3A_253 = arith.constant 224 : i32
        %dma_start3A_254 = tpu.memref_slice %arg21[%dma_start3A_253] : memref<512xf32, #tpu.memory_space<vmem_shared>> -> memref<32xf32, #tpu.memory_space<vmem_shared>>
        tpu.enqueue_dma source(%dma_start3A_254 : memref<32xf32, #tpu.memory_space<vmem_shared>>) target(%arg17 : memref<32xf32, #tpu.memory_space<vmem>>) target_semaphore(%run_scoped3A : memref<!tpu.dma_semaphore, #tpu.memory_space<semaphore_mem>>)
        %dma_wait3A = arith.constant 224 : i32
        %dma_wait3A_255 = tpu.memref_slice %arg21[%dma_wait3A] : memref<512xf32, #tpu.memory_space<vmem_shared>> -> memref<32xf32, #tpu.memory_space<vmem_shared>>
        %dma_wait3A_256 = arith.constant 224 : i32
        %dma_wait3A_257 = tpu.memref_slice %arg21[%dma_wait3A_256] : memref<512xf32, #tpu.memory_space<vmem_shared>> -> memref<32xf32, #tpu.memory_space<vmem_shared>>
        tpu.wait_dma2 semaphore(%run_scoped3A : memref<!tpu.dma_semaphore, #tpu.memory_space<semaphore_mem>>) src(%dma_wait3A_257 : memref<32xf32, #tpu.memory_space<vmem_shared>>) dst(%arg17 : memref<32xf32, #tpu.memory_space<vmem>>)
        tpu.yield
      }) : () -> ()
      %get3A_221 = arith.constant 0 : index
      %get3A_222 = tpu.vector_load %arg17[%get3A_221] {strides = array<i32>} : memref<32xf32, #tpu.memory_space<vmem>>, vector<16xf32>,
      %add3A_223 = arith.addf %add3A_220, %get3A_222 : vector<16xf32>
      "tpu.region"() ({
        %run_scoped3A = tpu.sem_alloc : memref<!tpu.dma_semaphore, #tpu.memory_space<semaphore_mem>>
        %dma_start3A = arith.constant 256 : i32
        %dma_start3A_252 = tpu.memref_slice %arg21[%dma_start3A] : memref<512xf32, #tpu.memory_space<vmem_shared>> -> memref<32xf32, #tpu.memory_space<vmem_shared>>
        %dma_start3A_253 = arith.constant 256 : i32
        %dma_start3A_254 = tpu.memref_slice %arg21[%dma_start3A_253] : memref<512xf32, #tpu.memory_space<vmem_shared>> -> memref<32xf32, #tpu.memory_space<vmem_shared>>
        tpu.enqueue_dma source(%dma_start3A_254 : memref<32xf32, #tpu.memory_space<vmem_shared>>) target(%arg17 : memref<32xf32, #tpu.memory_space<vmem>>) target_semaphore(%run_scoped3A : memref<!tpu.dma_semaphore, #tpu.memory_space<semaphore_mem>>)
        %dma_wait3A = arith.constant 256 : i32
        %dma_wait3A_255 = tpu.memref_slice %arg21[%dma_wait3A] : memref<512xf32, #tpu.memory_space<vmem_shared>> -> memref<32xf32, #tpu.memory_space<vmem_shared>>
        %dma_wait3A_256 = arith.constant 256 : i32
        %dma_wait3A_257 = tpu.memref_slice %arg21[%dma_wait3A_256] : memref<512xf32, #tpu.memory_space<vmem_shared>> -> memref<32xf32, #tpu.memory_space<vmem_shared>>
        tpu.wait_dma2 semaphore(%run_scoped3A : memref<!tpu.dma_semaphore, #tpu.memory_space<semaphore_mem>>) src(%dma_wait3A_257 : memref<32xf32, #tpu.memory_space<vmem_shared>>) dst(%arg17 : memref<32xf32, #tpu.memory_space<vmem>>)
        tpu.yield
      }) : () -> ()
      %get3A_224 = arith.constant 0 : index
      %get3A_225 = tpu.vector_load %arg17[%get3A_224] {strides = array<i32>} : memref<32xf32, #tpu.memory_space<vmem>>, vector<16xf32>,
      %add3A_226 = arith.addf %add3A_223, %get3A_225 : vector<16xf32>
      "tpu.region"() ({
        %run_scoped3A = tpu.sem_alloc : memref<!tpu.dma_semaphore, #tpu.memory_space<semaphore_mem>>
        %dma_start3A = arith.constant 288 : i32
        %dma_start3A_252 = tpu.memref_slice %arg21[%dma_start3A] : memref<512xf32, #tpu.memory_space<vmem_shared>> -> memref<32xf32, #tpu.memory_space<vmem_shared>>
        %dma_start3A_253 = arith.constant 288 : i32
        %dma_start3A_254 = tpu.memref_slice %arg21[%dma_start3A_253] : memref<512xf32, #tpu.memory_space<vmem_shared>> -> memref<32xf32, #tpu.memory_space<vmem_shared>>
        tpu.enqueue_dma source(%dma_start3A_254 : memref<32xf32, #tpu.memory_space<vmem_shared>>) target(%arg17 : memref<32xf32, #tpu.memory_space<vmem>>) target_semaphore(%run_scoped3A : memref<!tpu.dma_semaphore, #tpu.memory_space<semaphore_mem>>)
        %dma_wait3A = arith.constant 288 : i32
        %dma_wait3A_255 = tpu.memref_slice %arg21[%dma_wait3A] : memref<512xf32, #tpu.memory_space<vmem_shared>> -> memref<32xf32, #tpu.memory_space<vmem_shared>>
        %dma_wait3A_256 = arith.constant 288 : i32
        %dma_wait3A_257 = tpu.memref_slice %arg21[%dma_wait3A_256] : memref<512xf32, #tpu.memory_space<vmem_shared>> -> memref<32xf32, #tpu.memory_space<vmem_shared>>
        tpu.wait_dma2 semaphore(%run_scoped3A : memref<!tpu.dma_semaphore, #tpu.memory_space<semaphore_mem>>) src(%dma_wait3A_257 : memref<32xf32, #tpu.memory_space<vmem_shared>>) dst(%arg17 : memref<32xf32, #tpu.memory_space<vmem>>)
        tpu.yield
      }) : () -> ()
      %get3A_227 = arith.constant 0 : index
      %get3A_228 = tpu.vector_load %arg17[%get3A_227] {strides = array<i32>} : memref<32xf32, #tpu.memory_space<vmem>>, vector<16xf32>,
      %add3A_229 = arith.addf %add3A_226, %get3A_228 : vector<16xf32>
      "tpu.region"() ({
        %run_scoped3A = tpu.sem_alloc : memref<!tpu.dma_semaphore, #tpu.memory_space<semaphore_mem>>
        %dma_start3A = arith.constant 320 : i32
        %dma_start3A_252 = tpu.memref_slice %arg21[%dma_start3A] : memref<512xf32, #tpu.memory_space<vmem_shared>> -> memref<32xf32, #tpu.memory_space<vmem_shared>>
        %dma_start3A_253 = arith.constant 320 : i32
        %dma_start3A_254 = tpu.memref_slice %arg21[%dma_start3A_253] : memref<512xf32, #tpu.memory_space<vmem_shared>> -> memref<32xf32, #tpu.memory_space<vmem_shared>>
        tpu.enqueue_dma source(%dma_start3A_254 : memref<32xf32, #tpu.memory_space<vmem_shared>>) target(%arg17 : memref<32xf32, #tpu.memory_space<vmem>>) target_semaphore(%run_scoped3A : memref<!tpu.dma_semaphore, #tpu.memory_space<semaphore_mem>>)
        %dma_wait3A = arith.constant 320 : i32
        %dma_wait3A_255 = tpu.memref_slice %arg21[%dma_wait3A] : memref<512xf32, #tpu.memory_space<vmem_shared>> -> memref<32xf32, #tpu.memory_space<vmem_shared>>
        %dma_wait3A_256 = arith.constant 320 : i32
        %dma_wait3A_257 = tpu.memref_slice %arg21[%dma_wait3A_256] : memref<512xf32, #tpu.memory_space<vmem_shared>> -> memref<32xf32, #tpu.memory_space<vmem_shared>>
        tpu.wait_dma2 semaphore(%run_scoped3A : memref<!tpu.dma_semaphore, #tpu.memory_space<semaphore_mem>>) src(%dma_wait3A_257 : memref<32xf32, #tpu.memory_space<vmem_shared>>) dst(%arg17 : memref<32xf32, #tpu.memory_space<vmem>>)
        tpu.yield
      }) : () -> ()
      %get3A_230 = arith.constant 0 : index
      %get3A_231 = tpu.vector_load %arg17[%get3A_230] {strides = array<i32>} : memref<32xf32, #tpu.memory_space<vmem>>, vector<16xf32>,
      %add3A_232 = arith.addf %add3A_229, %get3A_231 : vector<16xf32>
      "tpu.region"() ({
        %run_scoped3A = tpu.sem_alloc : memref<!tpu.dma_semaphore, #tpu.memory_space<semaphore_mem>>
        %dma_start3A = arith.constant 352 : i32
        %dma_start3A_252 = tpu.memref_slice %arg21[%dma_start3A] : memref<512xf32, #tpu.memory_space<vmem_shared>> -> memref<32xf32, #tpu.memory_space<vmem_shared>>
        %dma_start3A_253 = arith.constant 352 : i32
        %dma_start3A_254 = tpu.memref_slice %arg21[%dma_start3A_253] : memref<512xf32, #tpu.memory_space<vmem_shared>> -> memref<32xf32, #tpu.memory_space<vmem_shared>>
        tpu.enqueue_dma source(%dma_start3A_254 : memref<32xf32, #tpu.memory_space<vmem_shared>>) target(%arg17 : memref<32xf32, #tpu.memory_space<vmem>>) target_semaphore(%run_scoped3A : memref<!tpu.dma_semaphore, #tpu.memory_space<semaphore_mem>>)
        %dma_wait3A = arith.constant 352 : i32
        %dma_wait3A_255 = tpu.memref_slice %arg21[%dma_wait3A] : memref<512xf32, #tpu.memory_space<vmem_shared>> -> memref<32xf32, #tpu.memory_space<vmem_shared>>
        %dma_wait3A_256 = arith.constant 352 : i32
        %dma_wait3A_257 = tpu.memref_slice %arg21[%dma_wait3A_256] : memref<512xf32, #tpu.memory_space<vmem_shared>> -> memref<32xf32, #tpu.memory_space<vmem_shared>>
        tpu.wait_dma2 semaphore(%run_scoped3A : memref<!tpu.dma_semaphore, #tpu.memory_space<semaphore_mem>>) src(%dma_wait3A_257 : memref<32xf32, #tpu.memory_space<vmem_shared>>) dst(%arg17 : memref<32xf32, #tpu.memory_space<vmem>>)
        tpu.yield
      }) : () -> ()
      %get3A_233 = arith.constant 0 : index
      %get3A_234 = tpu.vector_load %arg17[%get3A_233] {strides = array<i32>} : memref<32xf32, #tpu.memory_space<vmem>>, vector<16xf32>,
      %add3A_235 = arith.addf %add3A_232, %get3A_234 : vector<16xf32>
      "tpu.region"() ({
        %run_scoped3A = tpu.sem_alloc : memref<!tpu.dma_semaphore, #tpu.memory_space<semaphore_mem>>
        %dma_start3A = arith.constant 384 : i32
        %dma_start3A_252 = tpu.memref_slice %arg21[%dma_start3A] : memref<512xf32, #tpu.memory_space<vmem_shared>> -> memref<32xf32, #tpu.memory_space<vmem_shared>>
        %dma_start3A_253 = arith.constant 384 : i32
        %dma_start3A_254 = tpu.memref_slice %arg21[%dma_start3A_253] : memref<512xf32, #tpu.memory_space<vmem_shared>> -> memref<32xf32, #tpu.memory_space<vmem_shared>>
        tpu.enqueue_dma source(%dma_start3A_254 : memref<32xf32, #tpu.memory_space<vmem_shared>>) target(%arg17 : memref<32xf32, #tpu.memory_space<vmem>>) target_semaphore(%run_scoped3A : memref<!tpu.dma_semaphore, #tpu.memory_space<semaphore_mem>>)
        %dma_wait3A = arith.constant 384 : i32
        %dma_wait3A_255 = tpu.memref_slice %arg21[%dma_wait3A] : memref<512xf32, #tpu.memory_space<vmem_shared>> -> memref<32xf32, #tpu.memory_space<vmem_shared>>
        %dma_wait3A_256 = arith.constant 384 : i32
        %dma_wait3A_257 = tpu.memref_slice %arg21[%dma_wait3A_256] : memref<512xf32, #tpu.memory_space<vmem_shared>> -> memref<32xf32, #tpu.memory_space<vmem_shared>>
        tpu.wait_dma2 semaphore(%run_scoped3A : memref<!tpu.dma_semaphore, #tpu.memory_space<semaphore_mem>>) src(%dma_wait3A_257 : memref<32xf32, #tpu.memory_space<vmem_shared>>) dst(%arg17 : memref<32xf32, #tpu.memory_space<vmem>>)
        tpu.yield
      }) : () -> ()
      %get3A_236 = arith.constant 0 : index
      %get3A_237 = tpu.vector_load %arg17[%get3A_236] {strides = array<i32>} : memref<32xf32, #tpu.memory_space<vmem>>, vector<16xf32>,
      %add3A_238 = arith.addf %add3A_235, %get3A_237 : vector<16xf32>
      "tpu.region"() ({
        %run_scoped3A = tpu.sem_alloc : memref<!tpu.dma_semaphore, #tpu.memory_space<semaphore_mem>>
        %dma_start3A = arith.constant 416 : i32
        %dma_start3A_252 = tpu.memref_slice %arg21[%dma_start3A] : memref<512xf32, #tpu.memory_space<vmem_shared>> -> memref<32xf32, #tpu.memory_space<vmem_shared>>
        %dma_start3A_253 = arith.constant 416 : i32
        %dma_start3A_254 = tpu.memref_slice %arg21[%dma_start3A_253] : memref<512xf32, #tpu.memory_space<vmem_shared>> -> memref<32xf32, #tpu.memory_space<vmem_shared>>
        tpu.enqueue_dma source(%dma_start3A_254 : memref<32xf32, #tpu.memory_space<vmem_shared>>) target(%arg17 : memref<32xf32, #tpu.memory_space<vmem>>) target_semaphore(%run_scoped3A : memref<!tpu.dma_semaphore, #tpu.memory_space<semaphore_mem>>)
        %dma_wait3A = arith.constant 416 : i32
        %dma_wait3A_255 = tpu.memref_slice %arg21[%dma_wait3A] : memref<512xf32, #tpu.memory_space<vmem_shared>> -> memref<32xf32, #tpu.memory_space<vmem_shared>>
        %dma_wait3A_256 = arith.constant 416 : i32
        %dma_wait3A_257 = tpu.memref_slice %arg21[%dma_wait3A_256] : memref<512xf32, #tpu.memory_space<vmem_shared>> -> memref<32xf32, #tpu.memory_space<vmem_shared>>
        tpu.wait_dma2 semaphore(%run_scoped3A : memref<!tpu.dma_semaphore, #tpu.memory_space<semaphore_mem>>) src(%dma_wait3A_257 : memref<32xf32, #tpu.memory_space<vmem_shared>>) dst(%arg17 : memref<32xf32, #tpu.memory_space<vmem>>)
        tpu.yield
      }) : () -> ()
      %get3A_239 = arith.constant 0 : index
      %get3A_240 = tpu.vector_load %arg17[%get3A_239] {strides = array<i32>} : memref<32xf32, #tpu.memory_space<vmem>>, vector<16xf32>,
      %add3A_241 = arith.addf %add3A_238, %get3A_240 : vector<16xf32>
      "tpu.region"() ({
        %run_scoped3A = tpu.sem_alloc : memref<!tpu.dma_semaphore, #tpu.memory_space<semaphore_mem>>
        %dma_start3A = arith.constant 448 : i32
        %dma_start3A_252 = tpu.memref_slice %arg21[%dma_start3A] : memref<512xf32, #tpu.memory_space<vmem_shared>> -> memref<32xf32, #tpu.memory_space<vmem_shared>>
        %dma_start3A_253 = arith.constant 448 : i32
        %dma_start3A_254 = tpu.memref_slice %arg21[%dma_start3A_253] : memref<512xf32, #tpu.memory_space<vmem_shared>> -> memref<32xf32, #tpu.memory_space<vmem_shared>>
        tpu.enqueue_dma source(%dma_start3A_254 : memref<32xf32, #tpu.memory_space<vmem_shared>>) target(%arg17 : memref<32xf32, #tpu.memory_space<vmem>>) target_semaphore(%run_scoped3A : memref<!tpu.dma_semaphore, #tpu.memory_space<semaphore_mem>>)
        %dma_wait3A = arith.constant 448 : i32
        %dma_wait3A_255 = tpu.memref_slice %arg21[%dma_wait3A] : memref<512xf32, #tpu.memory_space<vmem_shared>> -> memref<32xf32, #tpu.memory_space<vmem_shared>>
        %dma_wait3A_256 = arith.constant 448 : i32
        %dma_wait3A_257 = tpu.memref_slice %arg21[%dma_wait3A_256] : memref<512xf32, #tpu.memory_space<vmem_shared>> -> memref<32xf32, #tpu.memory_space<vmem_shared>>
        tpu.wait_dma2 semaphore(%run_scoped3A : memref<!tpu.dma_semaphore, #tpu.memory_space<semaphore_mem>>) src(%dma_wait3A_257 : memref<32xf32, #tpu.memory_space<vmem_shared>>) dst(%arg17 : memref<32xf32, #tpu.memory_space<vmem>>)
        tpu.yield
      }) : () -> ()
      %get3A_242 = arith.constant 0 : index
      %get3A_243 = tpu.vector_load %arg17[%get3A_242] {strides = array<i32>} : memref<32xf32, #tpu.memory_space<vmem>>, vector<16xf32>,
      %add3A_244 = arith.addf %add3A_241, %get3A_243 : vector<16xf32>
      "tpu.region"() ({
        %run_scoped3A = tpu.sem_alloc : memref<!tpu.dma_semaphore, #tpu.memory_space<semaphore_mem>>
        %dma_start3A = arith.constant 480 : i32
        %dma_start3A_252 = tpu.memref_slice %arg21[%dma_start3A] : memref<512xf32, #tpu.memory_space<vmem_shared>> -> memref<32xf32, #tpu.memory_space<vmem_shared>>
        %dma_start3A_253 = arith.constant 480 : i32
        %dma_start3A_254 = tpu.memref_slice %arg21[%dma_start3A_253] : memref<512xf32, #tpu.memory_space<vmem_shared>> -> memref<32xf32, #tpu.memory_space<vmem_shared>>
        tpu.enqueue_dma source(%dma_start3A_254 : memref<32xf32, #tpu.memory_space<vmem_shared>>) target(%arg17 : memref<32xf32, #tpu.memory_space<vmem>>) target_semaphore(%run_scoped3A : memref<!tpu.dma_semaphore, #tpu.memory_space<semaphore_mem>>)
        %dma_wait3A = arith.constant 480 : i32
        %dma_wait3A_255 = tpu.memref_slice %arg21[%dma_wait3A] : memref<512xf32, #tpu.memory_space<vmem_shared>> -> memref<32xf32, #tpu.memory_space<vmem_shared>>
        %dma_wait3A_256 = arith.constant 480 : i32
        %dma_wait3A_257 = tpu.memref_slice %arg21[%dma_wait3A_256] : memref<512xf32, #tpu.memory_space<vmem_shared>> -> memref<32xf32, #tpu.memory_space<vmem_shared>>
        tpu.wait_dma2 semaphore(%run_scoped3A : memref<!tpu.dma_semaphore, #tpu.memory_space<semaphore_mem>>) src(%dma_wait3A_257 : memref<32xf32, #tpu.memory_space<vmem_shared>>) dst(%arg17 : memref<32xf32, #tpu.memory_space<vmem>>)
        tpu.yield
      }) : () -> ()
      %get3A_245 = arith.constant 0 : index
      %get3A_246 = tpu.vector_load %arg17[%get3A_245] {strides = array<i32>} : memref<32xf32, #tpu.memory_space<vmem>>, vector<16xf32>,
      %add3A_247 = arith.addf %add3A_244, %get3A_246 : vector<16xf32>
      %swap3A_248 = arith.constant 0 : index
      %swap3A_249 = tpu.vector_load %arg20[%swap3A_248] {strides = array<i32>} : memref<16xf32, #tpu.memory_space<vmem>>, vector<16xf32>,
      tpu.vector_store %arg20[%swap3A_248], %add3A_247 {strides = array<i32>} : memref<16xf32, #tpu.memory_space<vmem>>, vector<16xf32>,
      %mul3A_250 = arith.constant 16 : i32
      %mul3A_251 = arith.muli %arg0, %mul3A_250 : i32
      "tpu.region"() ({
        %run_scoped3A = tpu.sem_alloc : memref<!tpu.dma_semaphore, #tpu.memory_space<semaphore_mem>>
        %dma_start3A = tpu.memref_slice %arg3[%mul3A_251] : memref<32xf32, #tpu.memory_space<hbm>> -> memref<16xf32, #tpu.memory_space<hbm>>
        %dma_start3A_252 = tpu.memref_slice %arg3[%mul3A_251] : memref<32xf32, #tpu.memory_space<hbm>> -> memref<16xf32, #tpu.memory_space<hbm>>
        tpu.enqueue_dma source(%arg20 : memref<16xf32, #tpu.memory_space<vmem>>) target(%dma_start3A_252 : memref<16xf32, #tpu.memory_space<hbm>>) target_semaphore(%run_scoped3A : memref<!tpu.dma_semaphore, #tpu.memory_space<semaphore_mem>>)
        %dma_wait3A = tpu.memref_slice %arg3[%mul3A_251] : memref<32xf32, #tpu.memory_space<hbm>> -> memref<16xf32, #tpu.memory_space<hbm>>
        %dma_wait3A_253 = tpu.memref_slice %arg3[%mul3A_251] : memref<32xf32, #tpu.memory_space<hbm>> -> memref<16xf32, #tpu.memory_space<hbm>>
        tpu.wait_dma2 semaphore(%run_scoped3A : memref<!tpu.dma_semaphore, #tpu.memory_space<semaphore_mem>>) src(%arg20 : memref<16xf32, #tpu.memory_space<vmem>>) dst(%dma_wait3A_253 : memref<16xf32, #tpu.memory_space<hbm>>)
        tpu.yield
      }) : () -> ()
    } else {
    }
    return
  }
}

</mosaic_0001>

<sc_bundles>
// kernel: kernel.3.cloned.1.call-start
scs
__scs_entry_jumppad:
0x0: {  	(pc) =	sbr.rel $0x88, $3  }
0x1: {  	(tag) =	ssettag $0x0;
	lr =	simm.s32 $0x1  }
0x2: {  	[smem:$0x3F9D] =	sst lr;
	_ =	strace $0xD0000000  }
0x3: {  	_ = 	snop  }
0x4: {  	_ = 	snop  }
0x5: {  	_ = 	snop  }
0x6: {  	_ = 	snop  }
0x7: {  	_ = 	snop  }
__scs_overlays_trampoline_lowered:
0x8: {  	[smem:$0x3FAC] =	sst s0  }
0x9: {  	[smem:$0x3FAD] =	sst s1  }
0xa: {  	[smem:$0x3FAE] =	sst s2  }
0xb: {  	[smem:$0x3FAF] =	sst s3  }
0xc: {  	[smem:$0x3FB0] =	sst s4  }
0xd: {  	[smem:$0x3FB1] =	sst s5  }
0xe: {  	[smem:$0x3FB2] =	sst s6  }
0xf: {  	[smem:$0x3FB3] =	sst s7  }
0x10: {  	[smem:$0x3FB4] =	sst s8  }
0x11: {  	[smem:$0x3FB5] =	sst s9;
	s0 =	simm.s32 @!p0 $0x0  }
0x12: {  	s1 =	sld [smem:$0x3F9B];
	s0 =	simm.s32 @p0 $0x1  }
0x13: {  	[smem:$0x3FB6] =	sst s0;
	s0 =	simm.s32 @!p1 $0x0  }
0x14: {  	s2 =	sld [smem:$0x3F9A];
	s0 =	simm.s32 @p1 $0x1  }
0x15: {  	[smem:$0x3FB7] =	sst s0;
	s0 =	simm.s32 @!p2 $0x0  }
0x16: {  	s3 =	sld [smem:$0x3FDB];
	s0 =	simm.s32 @p2 $0x1  }
0x17: {  	s4 =	simm.s32 $0x1BF5;
	[smem:$0x3FB9] =	sst s0  }
0x18: {  	s0 =	sld [smem:$0x3F9C];
	_ =	swait.ge [sflag:s4], $0x0  }
0x19: {  	s7 =	sld [smem:$0x3F9D]  }
0x1a: {  	s8 =	sadd.s32 $0xFFFFE003, lr  }
0x1b: {  	s9 =	sadd.s32 $0xFFFFFEF7, lr;
	s5 =	simm.s32 $0xFFFFFFFF;
	p2 =	slt.u32 s8, $0xFFFFF086  }
0x1c: {  	p1 =	slt.u32 s9, $0xF7A;
	s5 =	simm.s32 @!p2 $0x0  }
0x1d: {  	s5 =	simm.s32 @p1 $0x1;
	p0 =	seq.s32 s7, s2  }
0x1e: {  	s7 =	smul.u32 @!p0 $0xF7A, s2;
	p2 =	seq.s32 @!p0 s5, $0x0  }
0x1f: {  	s9 =	smul.u32 $0xF7A, s1;
	s8 =	simm.s32 @!p0 $0x1BF5;
	p2 =	por !p2, p0  }
0x20: {  	[sflag:s8] =	ssyncset.s32 @!p0 $0xFFFFF086;
	s6 =	sadd.s32 @!p0 s3, s7;
	s7 =	simm.s32 @!p0 $0x108  }
0x21: {  	s3 =	sadd.s32 s3, s9;
	s6 =	sadd.s32 @!p0 $0x88, s6;
	s7 =	simm.s32 @p2 $0x1082  }
0x22: {  	[simem:s7], [sflag:s8] =	dma.local @!p0 [hbm:s6], $0xF7A  }
0x23: {  	s9 =	sor.u32 $0xD0000000, s2;
	s6 =	simm.s32 $0x108;
	_ =	swait.ge @!p0 [sflag:s8], $0x0  }
0x24: {  	s3 =	sadd.s32 $0x88, s3;
	s6 =	simm.s32 @!p1 $0x1082;
	[sflag:s4] =	ssyncset.s32 $0xFFFFF086  }
0x25: {  	[simem:s6], [sflag:s4] =	dma.local [hbm:s3], $0xF7A  }
0x26: {  	[smem:$0x3F9D] =	sst s1;
	(tag) =	ssettag s2;
	_ =	strace s9  }
0x27: {  	s1 =	sld [smem:$0x3FAD]  }
0x28: {  	s2 =	sld [smem:$0x3FAE]  }
0x29: {  	s4 =	sld [smem:$0x3FB0]  }
0x2a: {  	p0 =	seq.s32 s5, $0x0;
	s5 =	sld [smem:$0x3FB1]  }
0x2b: {  	s6 =	sld [smem:$0x3FB2]  }
0x2c: {  	s7 =	sld [smem:$0x3FB3]  }
0x2d: {  	s3 =	simm.s32 $0x108;
	s8 =	sld [smem:$0x3FB4]  }
0x2e: {  	s3 =	simm.s32 @!p0 $0x1082;
	s9 =	sld [smem:$0x3FB5]  }
0x2f: {  	lr =	sadd.s32 s0, s3;
	s0 =	sld [smem:$0x3FAC]  }
0x30: {  	s3 =	sld [smem:$0x3FAF]  }
0x31: {  	[smem:$0x3FB8] =	sst s10  }
0x32: {  	s10 =	sld [smem:$0x3FB6];
	_ =	sdelay $0x3  }
0x33: {  	p0 =	seq.s32 s10, $0x1;
	s10 =	sld [smem:$0x3FB8];
	_ =	sdelay $0x3  }
0x34: {  	[smem:$0x3FB8] =	sst s10  }
0x35: {  	s10 =	sld [smem:$0x3FB7];
	_ =	sdelay $0x3  }
0x36: {  	p1 =	seq.s32 s10, $0x1;
	s10 =	sld [smem:$0x3FB8];
	_ =	sdelay $0x3  }
0x37: {  	[smem:$0x3FB8] =	sst s10  }
0x38: {  	s10 =	sld [smem:$0x3FB9]  }
0x39: {  	_ = 	snop;
	(pc) =	sbr.ind lr, $3  }
0x3a: {  	_ = 	snop  }
0x3b: {  	_ = 	snop  }
0x3c: {  	p2 =	seq.s32 s10, $0x1;
	s10 =	sld [smem:$0x3FB8]  }
0x3d: {  	_ =	shalt  }
0x3e: {  	_ =	shalt  }
0x3f: {  	_ =	shalt  }
0x40: {  	_ =	shalt  }
0x41: {  	_ =	shalt  }
0x42: {  	_ =	shalt  }
0x43: {  	_ =	shalt  }
0x44: {  	_ =	shalt  }
0x45: {  	_ =	shalt  }
0x46: {  	_ =	shalt  }
0x47: {  	_ =	shalt  }
0x48: {  	_ =	shalt  }
0x49: {  	_ =	shalt  }
0x4a: {  	_ =	shalt  }
0x4b: {  	_ =	shalt  }
0x4c: {  	_ =	shalt  }
0x4d: {  	_ =	shalt  }
0x4e: {  	_ =	shalt  }
0x4f: {  	_ =	shalt  }
0x50: {  	_ =	shalt  }
0x51: {  	_ =	shalt  }
0x52: {  	_ =	shalt  }
0x53: {  	_ =	shalt  }
0x54: {  	_ =	shalt  }
0x55: {  	_ =	shalt  }
0x56: {  	_ =	shalt  }
0x57: {  	_ =	shalt  }
0x58: {  	_ =	shalt  }
0x59: {  	_ =	shalt  }
0x5a: {  	_ =	shalt  }
0x5b: {  	_ =	shalt  }
0x5c: {  	_ =	shalt  }
0x5d: {  	_ =	shalt  }
0x5e: {  	_ =	shalt  }
0x5f: {  	_ =	shalt  }
0x60: {  	_ =	shalt  }
0x61: {  	_ =	shalt  }
0x62: {  	_ =	shalt  }
0x63: {  	_ =	shalt  }
0x64: {  	_ =	shalt  }
0x65: {  	_ =	shalt  }
0x66: {  	_ =	shalt  }
0x67: {  	_ =	shalt  }
0x68: {  	_ =	shalt  }
0x69: {  	_ =	shalt  }
0x6a: {  	_ =	shalt  }
0x6b: {  	_ =	shalt  }
0x6c: {  	_ =	shalt  }
0x6d: {  	_ =	shalt  }
0x6e: {  	_ =	shalt  }
0x6f: {  	_ =	shalt  }
0x70: {  	_ =	shalt  }
0x71: {  	_ =	shalt  }
0x72: {  	_ =	shalt  }
0x73: {  	_ =	shalt  }
0x74: {  	_ =	shalt  }
0x75: {  	_ =	shalt  }
0x76: {  	_ =	shalt  }
0x77: {  	_ =	shalt  }
0x78: {  	_ =	shalt  }
0x79: {  	_ =	shalt  }
0x7a: {  	_ =	shalt  }
0x7b: {  	_ =	shalt  }
0x7c: {  	_ =	shalt  }
0x7d: {  	_ =	shalt  }
0x7e: {  	_ =	shalt  }
0x7f: {  	_ =	shalt  }
0x80: {  	_ =	shalt  }
0x81: {  	_ =	shalt  }
0x82: {  	_ =	shalt  }
0x83: {  	_ =	shalt  }
0x84: {  	_ =	shalt  }
0x85: {  	_ =	shalt  }
0x86: {  	_ =	shalt  }
0x87: {  	_ =	shalt  }
.Lfunc_end0:
.L_simem_size_0:
called_computation_lowered:
.L_overlay_start_0:
0x88: {  	s2 =	sld [smem:$0x3FD9]  }
0x89: {  	s3 =	sld [smem:$0x3FFE];
	_ =	sdelay $0x1  }
0x8a: {  	s1 =	srdreg.scid  }
0x8b: {  	s0 =	sand.u32 $0x1, s1  }
0x8c: {  	s16 =	sshll.u32 s0, $0xA;
	s2 =	sadd.s32 s3, s2  }
0x8d: {  	s2 =	sadd.s32 s2, s16  }
0x8e: {  	[smem:$0x3FC4] =	sst s2  }
0x8f: {  	_ = 	snop  }
0x90: {  	(tm) =	ssettm $0x1  }
0x91: {  	s17 =	sld [smem:$0x3FFB];
	_ =	sdelay $0x3  }
0x92: {  	_ =	strace s17  }
0x93: {  	s2 =	sld [smem:$0x3FFC];
	_ =	sdelay $0x3  }
0x94: {  	_ =	strace s2  }
0x95: {  	s2 =	sld [smem:$0x3FFD];
	_ =	sdelay $0x3  }
0x96: {  	_ =	strace s2  }
0x97: {  	_ =	strace $0x8FFFFFFF  }
0x98: {  	s18 =	sld [smem:$0x3FDB];
	_ =	sdelay $0x1  }
0x99: {  	s19 =	simm.s32 $_scs_section_size  }
0x9a: {  	s4 =	simm.s32 $_size__tile_overlayer_lowered;
	s5 =	simm.s32 $_tile_overlayer_lowered  }
0x9b: {  	s22 =	simm.s32 $0x1BFF;
	s21 =	sshll.u32 s5, $0x1;
	s2 =	sadd.s32 s19, s18  }
0x9c: {  	s6 =	simm.s32 $0x0;
	s20 =	sshll.u32 s4, $0x1;
	s4 =	sadd.s32 s21, s2  }
0x9d: {  	[timem:s6], [sflag:s22] =	dma.local [hbm:s4], s20  }
0x9e: {  	_ =	swait.ge [sflag:s22], s20  }
0x9f: {  	s3 =	ssub.s32 $0x0, s20;
	[sflag:s22] =	ssyncset.done $0x0  }
0xa0: {  	[sflag:s22] =	ssyncadd.s32 s3;
	_ =	sdelay $0x1  }
0xa1: {  	s23 =	simm.s32 $0x1B8B  }
0xa2: {  	_ =	swait.ge [sflag:s23], $0x1  }
0xa3: {  	[sflag:s23] =	ssyncset.done $0x0  }
0xa4: {  	s25 =	simm.s32 $0x1B8E;
	s24 =	sld [smem:$0x3FFE];
	[sflag:s23] =	ssyncadd.s32 $0xFFFFFFFF  }
0xa5: {  	s26 =	simm.s32 $execute0_lowered;
	[smem:$0x3FD2] =	sst s25  }
0xa6: {  	s4 =	sshll.u32 s26, $0x1;
	_ =	strace $0x80000046;
	[dreg:$0x1] =	wrdreg $0xFFFFFFFF  }
0xa7: {  	s28 =	simm.s32 $_size_execute0_lowered;
	s2 =	sadd.s32 s2, s4;
	[dreg:$0x0] =	wrdreg $0x0  }
0xa8: {  	s4 =	sshll.u32 s28, $0x1;
	[dreg:$0x2] =	wrdreg s2  }
0xa9: {  	[dreg:$0x3] =	wrdreg s4  }
0xaa: {  	[dreg:$0x4] =	wrdreg $0xC0  }
0xab: {  	_ =	task [dreg:s6], $0x5FFFF  }
0xac: {  	[dreg:$0x1] =	wrdreg $0xFFFFFFFF  }
0xad: {  	[dreg:$0x0] =	wrdreg $0x60  }
0xae: {  	[dreg:$0x2] =	wrdreg s24  }
0xaf: {  	[dreg:$0x3] =	wrdreg $0x35800  }
0xb0: {  	[dreg:$0x4] =	wrdreg $0x9  }
0xb1: {  	_ =	task.clear_ibuf [dreg:s6], $0x5FFFF;
	_ =	strace $0x90000046  }
0xb2: {  	s29 =	simm.s32 $0x9;
	_ =	strace $0x80000048  }
0xb3: {  	_ =	swait.ge [sflag:s29], $0x1  }
0xb4: {  	[sflag:s29] =	ssyncadd.s32 $0xFFFFFFFF  }
0xb5: {  	_ =	strace $0x90000048  }
0xb6: {  	_ =	sfence  }
0xb7: {  	s30 =	sld [smem:$0x0];
	_ =	sdelay $0x2  }
0xb8: {  	s31 =	sshll.u32 s1, $0xD;
	s1 =	sshrl.u32 s1, $0x2  }
0xb9: {  	s3 =	sand.u32 $0x4000, s31;
	s1 =	sadd.s32 s1, s30  }
0xba: {  	s0 =	sor.u32 s3, s0;
	s1 =	sshll.u32 s1, $0x11  }
0xbb: {  	s0 =	sor.u32 s1, s0  }
0xbc: {  	s0 =	sadd.s32 $0x8F2B, s0  }
0xbd: {  	[sflag:s0] =	ssyncadd.remote.s32 $0x1  }
0xbe: {  	_ =	sfence.sel $0xFFFF  }
0xbf: {  	[dreg:$0x0] =	wrdreg $0xFFFFFFFF;
	(pc) =	sbr.abs _section_cstart, $3  }
0xc0: {  	[dreg:$0x1] =	wrdreg $0xFFFFFFFF  }
0xc1: {  	_ =	task.clear_ibuf [dreg:s6], $0x2FFFF;
	_ =	strace $0x9FFFFFFF  }
0xc2: {  	(tm) =	ssettm $0x7FFFFFFF  }
0xc3: {  	_ =	shalt  }
tec
execute0_lowered:
.L_overlay_start_1:
0x0: {  	(tag) =	ssettag $0x1  }
0x1: {  	s0 =	srdreg.scid;
	s1 =	rddreg [dreg:$0x0]  }
0x2: {  	s4 =	stileid.u32;
	s11 =	rddreg [dreg:$0x1]  }
0x3: {  	s28 =	simm.s32 $0x3480;
	s0 =	sand.u32 $0x1, s0;
	s5 =	sshrl.u32 s4, $0x2  }
0x4: {  	s3 =	sand.u32 $0x3, s4;
	s8 =	sadd.s32 $0x1600, s1;
	s2 =	sshll.u32 s0, $0x2  }
0x5: {  	s30 =	sshll.u32 s4, $0x5;
	s6 =	sor.u32 s5, s2;
	s2 =	simm.s32 $0x0  }
0x6: {  	s13 =	sadd.s32 $0x20, s11;
	s14 =	sadd.s32 $0x40, s11;
	[smem:$0x7FF] =	sst s2  }
0x7: {  	s15 =	sadd.s32 $0x60, s11;
	_ =	strace $0x80000047;
	[dreg:$0xb] =	wrdreg s13  }
0x8: {  	s16 =	sadd.s32 $0x80, s11;
	s17 =	sadd.s32 $0xA0, s11;
	[dreg:$0xc] =	wrdreg s14  }
0x9: {  	s18 =	sadd.s32 $0xC0, s11;
	s19 =	sadd.s32 $0xE0, s11;
	[dreg:$0xd] =	wrdreg s15  }
0xa: {  	s20 =	sadd.s32 $0x100, s11;
	s21 =	sadd.s32 $0x120, s11;
	[dreg:$0xe] =	wrdreg s16  }
0xb: {  	s9 =	smul.u32 $0x500, s3;
	s22 =	ssub.s32 $0x2, s0;
	[dreg:$0xf] =	wrdreg s17  }
0xc: {  	s0 =	sshll.u32 s0, $0x1;
	s10 =	sshrl.u32 s22, $0x1;
	[dreg:$0x10] =	wrdreg s18  }
0xd: {  	s0 =	sadd.s32 s0, s1;
	s7 =	smul.u32 $0x1400, s6;
	[dreg:$0x11] =	wrdreg s19  }
0xe: {  	s23 =	ssub.s32 s22, s10;
	s6 =	smul.u32 $0x6, s6;
	[dreg:$0x12] =	wrdreg s20  }
0xf: {  	s10 =	sadd.s32 s30, s11;
	s0 =	sadd.s32 $0x7C00, s0;
	[dreg:$0x13] =	wrdreg s21  }
0x10: {  	s22 =	sadd.s32 $0x140, s11;
	s30 =	sadd.s32 $0x1C0, s11;
	[dreg:$0x14] =	wrdreg s0  }
0x11: {  	[dreg:$0x15] =	wrdreg s22;
	s7 =	sadd.s32 s9, s7;
	s6 =	sadd.s32 s6, s8  }
0x12: {  	[dreg:$0x19] =	wrdreg s30;
	s7 =	sshrl.u32 s7, $0x3;
	s31 =	sadd.s32 $0x6400, s6  }
0x13: {  	s3 =	sadd.s32 s8, s7;
	[dreg:$0x7] =	wrdreg s31;
	s31 =	sadd.s32 $0x1E0, s11  }
0x14: {  	v0 =	vimm.f32 $2.000000000e+00;
	s29 =	simm.s32 $0x0;
	s7 =	sadd.s32 $0x1400, s3;
	[dreg:$0x1a] =	wrdreg s31  }
0x15: {  	v1 =	vimm.f32 $2.000000030e-01;
	p0 =	sne.s32 s4, $0x0;
	(erf) = vrcp.f32 v0;
	s24 =	sadd.s32 $0x2800, s3;
	[dreg:$0x3] =	wrdreg s7  }
0x16: {  	s5 =	sshll.u32 s5, $0x7;
	(erf) = vrcp.f32 v1;
	s25 =	sadd.s32 $0x3C00, s3;
	[dreg:$0x4] =	wrdreg s24  }
0x17: {  	s8 =	sadd.s32 s5, s11;
	s26 =	sadd.s32 $0x5000, s3;
	[dreg:$0x5] =	wrdreg s25  }
0x18: {  	s0 =	sor.u32 $0x70, s9;
	s6 =	sadd.s32 $0x20, s8;
	[dreg:$0x6] =	wrdreg s26  }
0x19: {  	s14 =	simm.s32 $0x1;
	s12 =	sadd.s32 $0x60, s8;
	[dreg:$0x8] =	wrdreg s6  }
0x1a: {  	s7 =	sadd.s32 $0x40, s8;
	[dreg:$0xa] =	wrdreg s12;
	s24 =	smax.u32 s23, $0x1  }
.Ltmp0:
0x1b: {  	s23 =	sadd.s32 $0x160, s11;
	[dreg:$0x9] =	wrdreg s7;
	(pc) =	sbr.rel .LBB2_1-.Ltmp0, $4  }
0x1c: {  	s19 =	simm.s32 $0x1900;
	s25 =	sadd.s32 $0x180, s11;
	[dreg:$0x16] =	wrdreg s23  }
0x1d: {  	v3 =	vimm.f32 $-1.000000000e+00;
	s20 =	simm.s32 $0x3300;
	s26 =	sadd.s32 $0x1A0, s11;
	[dreg:$0x17] =	wrdreg s25  }
0x1e: {  	v4 =	vlaneseq.u32;
	v5 =	vimm.f32 $0.0e+00;
	v7 =	vimm.s32 $0xFFFFFF81;
	s21 =	simm.s32 $0x3380;
	s22 =	simm.s32 $0x3280;
	[dreg:$0x18] =	wrdreg s26;
	v2 =	vpop (erf)  }
0x1f: {  	vm0 =	vcmask $0x704;
	vm1 =	vcmask $0x3F04;
	v1 =	vmov s9;
	s23 =	simm.s32 $0x2880;
	s25 =	simm.s32 $0x2D80;
	s26 =	simm.s32 $0x3400;
	v6 =	vpop (erf)  }
.LBB2_13:
0x20: {  	s29 =	sadd.s32 $0x1, s29  }
0x21: {  	p1 =	sne.s32 s29, s24  }
.Ltmp1:
0x22: {  	_ = 	snop;
	(pc) =	sbr.rel @!p1 .LBB2_14-.Ltmp1, $1  }
0x23: {  	_ =	sdelay $0x3  }
.LBB2_1:
0x24: {  	[tilespmem:s2], [sflag:$0x1] =	stream.linear.gather [hbm4b:s3+s2], $0x500, $0x38;
	[tilespmem:$0x35A0] =	vst v63  }
0x25: {  	_ =	swait.ge [sflag:s14], $0x500  }
0x26: {  	[sflag:s14] =	ssyncset.done $0x0  }
0x27: {  	s4 =	simm.s32 $0x500;
	s1 =	rddreg [dreg:$0x3];
	[sflag:s14] =	ssyncadd.s32 $0xFFFFFB00  }
0x28: {  	[tilespmem:s4], [sflag:$0x1] =	stream.linear.gather [hbm4b:s1+s2], $0x500, $0x38;
	[tilespmem:$0x35A0] =	vst v63  }
0x29: {  	_ =	swait.ge [sflag:s14], $0x500  }
0x2a: {  	[sflag:s14] =	ssyncset.done $0x0  }
0x2b: {  	s12 =	simm.s32 $0xA00;
	s11 =	rddreg [dreg:$0x4];
	[sflag:s14] =	ssyncadd.s32 $0xFFFFFB00  }
0x2c: {  	[tilespmem:s12], [sflag:$0x1] =	stream.linear.gather [hbm4b:s11+s2], $0x500, $0x38;
	[tilespmem:$0x35A0] =	vst v63  }
0x2d: {  	_ =	swait.ge [sflag:s14], $0x500  }
0x2e: {  	[sflag:s14] =	ssyncset.done $0x0  }
0x2f: {  	s15 =	simm.s32 $0xF00;
	s13 =	rddreg [dreg:$0x5];
	[sflag:s14] =	ssyncadd.s32 $0xFFFFFB00  }
0x30: {  	[tilespmem:s15], [sflag:$0x1] =	stream.linear.gather [hbm4b:s13+s2], $0x500, $0x38;
	[tilespmem:$0x35A0] =	vst v63  }
0x31: {  	_ =	swait.ge [sflag:s14], $0x500  }
0x32: {  	[sflag:s14] =	ssyncset.done $0x0  }
0x33: {  	s17 =	simm.s32 $0x1400;
	s16 =	rddreg [dreg:$0x6];
	[sflag:s14] =	ssyncadd.s32 $0xFFFFFB00  }
0x34: {  	[tilespmem:s17], [sflag:$0x1] =	stream.linear.gather [hbm4b:s16+s2], $0x500, $0x38;
	[tilespmem:$0x35A0] =	vst v63  }
0x35: {  	_ =	swait.ge [sflag:s14], $0x500  }
0x36: {  	[sflag:s14] =	ssyncset.done $0x0  }
0x37: {  	s18 =	rddreg [dreg:$0x7];
	[sflag:s14] =	ssyncadd.s32 $0xFFFFFB00  }
0x38: {  	[tilespmem:s19], [sflag:$0x1] =	stream.linear.gather [hbm4b:s18+s2], $0x30, $0x38;
	[tilespmem:$0x35A0] =	vst v63  }
0x39: {  	_ =	swait.ge [sflag:s14], $0x30  }
0x3a: {  	[sflag:s14] =	ssyncset.done $0x0  }
0x3b: {  	s30 =	simm.s32 $0x510;
	[sflag:s14] =	ssyncadd.s32 $0xFFFFFFD0  }
0x3c: {  	v8 =	vld [tilespmem:s30+$0x0]  }
0x3d: {  	s31 =	simm.s32 $0x10  }
0x3e: {  	v9 =	vld [tilespmem:s31+$0x0];
	_ =	sdelay $0x2  }
0x3f: {  	v10 =	vld [tilespmem:s30+$0xFFFFFFF0];
	v8 =	vmul.f32 v8, v2;
	_ =	sdelay $0x1  }
0x40: {  	v11 =	vld [tilespmem:s31+$0xFFFFFFF0];
	v12 =	vsub.f32 v9, v8;
	v8 =	vadd.f32 v8, v9  }
0x41: {  	s7 =	simm.s32 $0x1990  }
0x42: {  	s9 =	simm.s32 $0x1E90;
	s5 =	simm.s32 $0x530;
	[tilespmem:s7+$0x0] =	vst v12;
	v9 =	vsub.f32 v8, v12  }
0x43: {  	s1 =	simm.s32 $0x2390;
	v10 =	vmul.f32 v10, v2;
	v12 =	vld [tilespmem:s5+$0x0];
	[tilespmem:s9+$0x0] =	vst v8  }
0x44: {  	s6 =	simm.s32 $0x30;
	s4 =	simm.s32 $0x2890;
	v13 =	vld [tilespmem:s5+$0xFFFFFFF0];
	[tilespmem:s1+$0x0] =	vst v9  }
0x45: {  	s5 =	simm.s32 $0x2D90;
	v8 =	vimm.s32 $0x0;
	v9 =	vsub.f32 v11, v10;
	v10 =	vadd.f32 v10, v11;
	v11 =	vld [tilespmem:s6+$0x0];
	[tilespmem:s4+$0x0] =	vst v3  }
0x46: {  	v14 =	vld [tilespmem:s6+$0xFFFFFFF0];
	[tilespmem:s5+$0x0] =	vst v8  }
0x47: {  	v15 =	vsub.f32 v10, v9;
	[tilespmem:s7+$0xFFFFFFF0] =	vst v9  }
0x48: {  	v9 =	vmul.f32 v12, v2;
	[tilespmem:s9+$0xFFFFFFF0] =	vst v10  }
0x49: {  	v10 =	vmul.f32 v13, v2;
	[tilespmem:s1+$0xFFFFFFF0] =	vst v15  }
0x4a: {  	v12 =	vsub.f32 v11, v9;
	v11 =	vadd.f32 v9, v11;
	[tilespmem:s4+$0xFFFFFFF0] =	vst v3  }
0x4b: {  	s7 =	simm.s32 $0x19B0;
	v9 =	vsub.f32 v14, v10;
	v10 =	vadd.f32 v10, v14;
	[tilespmem:s5+$0xFFFFFFF0] =	vst v8  }
0x4c: {  	s11 =	simm.s32 $0x2;
	s15 =	simm.s32 $0x550;
	s9 =	simm.s32 $0x1EB0;
	[tilespmem:s7+$0x0] =	vst v12;
	v12 =	vsub.f32 v11, v12  }
.LBB2_2:
0x4d: {  	v13 =	vld [tilespmem:s15+$0x0];
	v14 =	vsub.f32 v10, v9;
	[tilespmem:s9+$0x0] =	vst v11;
	s1 =	sadd.s32 $0x20, s1  }
0x4e: {  	s6 =	sadd.s32 $0x20, s6;
	s4 =	sadd.s32 $0x20, s4;
	v11 =	vld [tilespmem:s15+$0xFFFFFFF0];
	[tilespmem:s1+$0x0] =	vst v12  }
0x4f: {  	s11 =	sadd.s32 $0x2, s11;
	s5 =	sadd.s32 $0x20, s5;
	v12 =	vld [tilespmem:s6+$0x0];
	[tilespmem:s4+$0x0] =	vst v3  }
0x50: {  	p1 =	slt.u32 s11, $0x4E;
	v15 =	vld [tilespmem:s6+$0xFFFFFFF0];
	[tilespmem:s5+$0x0] =	vst v8  }
0x51: {  	[tilespmem:s7+$0xFFFFFFF0] =	vst v9  }
.Ltmp2:
0x52: {  	v9 =	vmul.f32 v13, v2;
	[tilespmem:s9+$0xFFFFFFF0] =	vst v10;
	(pc) =	sbr.rel @p1 .LBB2_2-.Ltmp2, $4  }
0x53: {  	v10 =	vmul.f32 v11, v2;
	[tilespmem:s1+$0xFFFFFFF0] =	vst v14  }
0x54: {  	v13 =	vsub.f32 v12, v9;
	v11 =	vadd.f32 v9, v12;
	[tilespmem:s4+$0xFFFFFFF0] =	vst v3  }
0x55: {  	s7 =	sadd.s32 $0x20, s7;
	v9 =	vsub.f32 v15, v10;
	v10 =	vadd.f32 v10, v15;
	[tilespmem:s5+$0xFFFFFFF0] =	vst v8  }
0x56: {  	s15 =	sadd.s32 $0x20, s15;
	s9 =	sadd.s32 $0x20, s9;
	[tilespmem:s7+$0x0] =	vst v13;
	v12 =	vsub.f32 v11, v13  }
0x57: {  	[tilespmem:s9+$0x0] =	vst v11  }
0x58: {  	s1 =	sadd.s32 $0x20, s1;
	[tilespmem:s7+$0xFFFFFFF0] =	vst v9  }
0x59: {  	[tilespmem:s1+$0x0] =	vst v12  }
0x5a: {  	s4 =	sadd.s32 $0x20, s4;
	v11 =	vsub.f32 v10, v9;
	[tilespmem:s9+$0xFFFFFFF0] =	vst v10  }
0x5b: {  	[tilespmem:s4+$0x0] =	vst v3  }
0x5c: {  	v8 =	vimm.s32 $0x0;
	s5 =	sadd.s32 $0x20, s5;
	[tilespmem:s1+$0xFFFFFFF0] =	vst v11  }
0x5d: {  	[tilespmem:s5+$0x0] =	vst v8  }
0x5e: {  	[tilespmem:s4+$0xFFFFFFF0] =	vst v3  }
0x5f: {  	s30 =	simm.s32 $0x0;
	v9 =	vimm.f32 $0.0e+00;
	v10 =	vimm.s32 $0x0;
	[tilespmem:s5+$0xFFFFFFF0] =	vst v8  }
.LBB2_4:
0x60: {  	s1 =	simm.s32 $0x19C0  }
0x61: {  	s4 =	simm.s32 $0x23C0;
	v15 =	vld [tilespmem:s1+$0xFFFFFFF0]  }
0x62: {  	s5 =	simm.s32 $0x1EC0;
	v16 =	vld [tilespmem:s4+$0x20]  }
0x63: {  	v11 =	vmov s30;
	v17 =	vld [tilespmem:s5+$0x20]  }
0x64: {  	v12 =	vmul.u32 $0x3, v11;
	v18 =	vld [tilespmem:s5+$0x30]  }
0x65: {  	v19 =	vld [tilespmem:s4+$0xFFFFFFF0]  }
0x66: {  	v20 =	vld [tilespmem:s4+$0x30];
	v13 =	vadd.s32 $0x1, v12  }
0x67: {  	v21 =	vld [tilespmem:s1+$0x30]  }
0x68: {  	v22 =	vld [tilespmem:s1+$0x20]  }
0x69: {  	v23 =	vld [tilespmem:s4+$0xFFFFFFE0]  }
0x6a: {  	v12 =	vld.idx.msk [tilespmem:v12+s19+$0x0], $0xffff  }
0x6b: {  	v13 =	vld.idx.msk [tilespmem:v13+s19+$0x0], $0xffff  }
0x6c: {  	v24 =	vld [tilespmem:s4+$0x10]  }
0x6d: {  	v25 =	vld [tilespmem:s1+$0x10]  }
0x6e: {  	v34 =	vimm.f32 $-1.000000000e+00;
	s7 =	sadd.s32 $0xFFFFFFA0, s0;
	s13 =	sadd.s32 $0xFFFFFFB0, s0;
	s15 =	sadd.s32 $0xFFFFFFC0, s0;
	v26 =	vld [tilespmem:s5+$0x10]  }
0x6f: {  	v27 =	vld [tilespmem:s1+$0xFFFFFFD0];
	v36 =	vor.u32 s7, v4;
	v47 =	vor.u32 s13, v4;
	v55 =	vor.u32 s15, v4  }
0x70: {  	v28 =	vld [tilespmem:s5+$0xFFFFFFD0];
	v21 =	vmax.f32 v12, v21;
	v14 =	vsub.f32 v13, v12;
	v18 =	vmin.f32 v13, v18  }
0x71: {  	v29 =	vld [tilespmem:s1+$0xFFFFFFC0];
	v22 =	vmax.f32 v12, v22;
	v17 =	vmin.f32 v13, v17;
	v18 =	vsub.f32 v18, v21  }
0x72: {  	v15 =	vmax.f32 v12, v15;
	v21 =	vld [tilespmem:s4+$0xFFFFFFD0];
	v17 =	vsub.f32 v17, v22;
	v20 =	vadd.f32 v20, v14  }
0x73: {  	v25 =	vmax.f32 v12, v25;
	v22 =	vld [tilespmem:s5+$0xFFFFFFF0];
	v16 =	vadd.f32 v16, v14;
	v18 =	vmax.f32 v18, $0.0e+00  }
0x74: {  	v30 =	vld [tilespmem:s5+$0xFFFFFFC0];
	v27 =	vmax.f32 v12, v27;
	v17 =	vmax.f32 v17, $0.0e+00;
	v20 =	vsub.f32 v20, v18  }
0x75: {  	v31 =	vld [tilespmem:s4+$0xFFFFFFC0];
	v26 =	vmin.f32 v13, v26;
	v28 =	vmin.f32 v13, v28;
	v16 =	vsub.f32 v16, v17  }
0x76: {  	v32 =	vld [tilespmem:s1+$0xFFFFFFE0];
	v25 =	vsub.f32 v26, v25;
	v19 =	vadd.f32 v19, v14;
	v20 =	vmax.f32 v20, $1.000000010e-10  }
0x77: {  	s6 =	simm.s32 $0x1F40;
	v21 =	vadd.f32 v21, v14;
	v16 =	vmax.f32 v16, $1.000000010e-10;
	(erf) = vrcp.f32 v20;
	v20 =	vld [tilespmem:s5+$0xFFFFFFE0]  }
0x78: {  	v35 =	vld [tilespmem:s6+$0x20];
	v22 =	vmin.f32 v13, v22;
	(erf) = vrcp.f32 v16;
	v16 =	vsub.f32 v28, v27  }
0x79: {  	s12 =	simm.s32 $0x2440;
	v38 =	vld [tilespmem:s6+$0x30];
	v15 =	vsub.f32 v22, v15;
	v22 =	vmax.f32 v12, v29;
	v27 =	vmin.f32 v13, v30  }
0x7a: {  	v63 =	vld [tilespmem:s12+$0xFFFFFFF0];
	v28 =	vadd.f32 v31, v14;
	v29 =	vmax.f32 v16, $0.0e+00;
	v16 =	vsub.f32 v27, v22  }
0x7b: {  	v30 =	vld [tilespmem:s5+$0x0];
	v15 =	vmax.f32 v15, $0.0e+00;
	v27 =	vmax.f32 v12, v32;
	v21 =	vsub.f32 v21, v29  }
0x7c: {  	v22 =	vld [tilespmem:s1+$0x0];
	v19 =	vsub.f32 v19, v15;
	v20 =	vmin.f32 v13, v20;
	v31 =	vmax.f32 v16, $0.0e+00  }
0x7d: {  	s11 =	simm.s32 $0x1A40;
	v26 =	vld [tilespmem:s4+$0x0];
	v16 =	vsub.f32 v20, v27;
	v20 =	vmax.f32 v21, $1.000000010e-10;
	v21 =	vsub.f32 v28, v31  }
0x7e: {  	v48 =	vld [tilespmem:s11+$0x30];
	v23 =	vadd.f32 v23, v14;
	s1 =	simm.s32 $0x28C0;
	v19 =	vmax.f32 v19, $1.000000010e-10;
	(erf) = vrcp.f32 v20  }
0x7f: {  	s16 =	sadd.s32 $0xFFFFFFF0, s0;
	v27 =	vld [tilespmem:s1+$0x30];
	v28 =	vmax.f32 v16, $0.0e+00;
	(erf) = vrcp.f32 v19;
	v19 =	vmax.f32 v21, $1.000000010e-10  }
0x80: {  	v40 =	vld [tilespmem:s11+$0x20];
	v42 =	vor.u32 s16, v4;
	v20 =	vpop (erf);
	v21 =	vsub.f32 v23, v28;
	(erf) = vrcp.f32 v19  }
0x81: {  	v50 =	vld [tilespmem:s12+$0xFFFFFFE0];
	v19 =	vmax.f32 v12, v22;
	v20 =	vmul.f32 v20, v18;
	v18 =	vmin.f32 v13, v30  }
0x82: {  	s17 =	sadd.s32 $0xFFFFFFE0, s0;
	s18 =	sadd.s32 $0xFFFFFFD0, s0;
	v41 =	vld [tilespmem:s6+$0xFFFFFFD0];
	v18 =	vsub.f32 v18, v19;
	v19 =	vmax.f32 v21, $1.000000010e-10;
	v21 =	vadd.f32 v26, v14  }
0x83: {  	v57 =	vld [tilespmem:s12+$0xFFFFFFD0];
	v45 =	vor.u32 s17, v4;
	v60 =	vor.u32 s18, v4;
	v24 =	vadd.f32 v24, v14  }
0x84: {  	v43 =	vld [tilespmem:s12+$0xFFFFFFC0];
	v16 =	vmax.f32 v25, $0.0e+00;
	vm2 =	vgt.f32 v20, v27;
	(erf) = vrcp.f32 v19  }
0x85: {  	v22 =	vsub.f32 v24, v16;
	v24 =	vld [tilespmem:s1+$0x20];
	v25 =	vsel vm2, v20, v27;
	v26 =	vmax.f32 v18, $0.0e+00  }
0x86: {  	s31 =	simm.s32 $0x2DC0;
	v54 =	vmax.f32 v12, v40;
	v35 =	vmin.f32 v13, v35;
	v19 =	vld [tilespmem:s1+$0xFFFFFFD0];
	[tilespmem:s1+$0x30] =	vst v25;
	v18 =	vsub.f32 v21, v26;
	v21 =	vpop (erf)  }
0x87: {  	v41 =	vmin.f32 v13, v41;
	v35 =	vsub.f32 v35, v54;
	v22 =	vmax.f32 v22, $1.000000010e-10;
	v25 =	vld [tilespmem:s31+$0x30];
	v27 =	vpop (erf)  }
0x88: {  	v30 =	vld [tilespmem:s1+$0xFFFFFFC0];
	v18 =	vmax.f32 v18, $1.000000010e-10;
	(erf) = vrcp.f32 v22;
	v27 =	vmul.f32 v27, v29;
	v29 =	vpop (erf)  }
0x89: {  	v51 =	vld [tilespmem:s12+$0x10];
	v40 =	vadd.f32 v57, v14;
	(erf) = vrcp.f32 v18;
	v18 =	vmul.f32 v21, v17;
	v17 =	vpop (erf)  }
0x8a: {  	v52 =	vld [tilespmem:s11+$0x10];
	v61 =	vadd.f32 v43, v14;
	v35 =	vmax.f32 v35, $0.0e+00;
	v17 =	vmul.f32 v17, v31  }
0x8b: {  	v23 =	vld [tilespmem:s1+$0xFFFFFFE0];
	v15 =	vmul.f32 v29, v15;
	vm3 =	vgt.f32 v27, v19;
	vm4 =	vgt.f32 v18, v24  }
0x8c: {  	s9 =	sadd.s32 $0xFFFFFF90, s0;
	v53 =	vld [tilespmem:s6+$0x10];
	v22 =	vsel vm3, v27, v19;
	v21 =	vsel vm2, v11, v25;
	vm5 =	vgt.f32 v17, v34  }
0x8d: {  	v33 =	vld [tilespmem:s1+$0xFFFFFFF0];
	v25 =	vor.u32 s9, v4;
	vm2 =	vgt.f32 v17, v30;
	v37 =	vpop (erf);
	v34 =	vsel vm5, v17, v34  }
0x8e: {  	v56 =	vld [tilespmem:s6+$0xFFFFFFF0];
	v39 =	vsel vm5, v25, v8;
	v28 =	vmul.f32 v37, v28;
	vm5 =	vgt.f32 v27, v34  }
0x8f: {  	v31 =	vld [tilespmem:s11+$0xFFFFFFF0];
	v24 =	vsel vm4, v18, v24;
	v25 =	vsel vm2, v17, v30;
	v17 =	vsel vm5, v27, v34  }
0x90: {  	v30 =	vld [tilespmem:s12+$0x30];
	v27 =	vsel vm5, v36, v39;
	vm5 =	vgt.f32 v28, v23;
	vm6 =	vgt.f32 v28, v17  }
0x91: {  	v19 =	vld [tilespmem:s12+$0x20];
	v36 =	vmax.f32 v12, v48;
	v23 =	vsel vm5, v28, v23;
	v17 =	vsel vm6, v28, v17  }
0x92: {  	v62 =	vld [tilespmem:s1+$0x0];
	v27 =	vsel vm6, v47, v27;
	vm6 =	vgt.f32 v15, v33;
	vm9 =	vgt.f32 v15, v17  }
0x93: {  	v44 =	vld [tilespmem:s11+$0xFFFFFFE0];
	v29 =	vpop (erf);
	v28 =	vsel vm6, v15, v33;
	v15 =	vsel vm9, v15, v17;
	v17 =	vmin.f32 v13, v38  }
0x94: {  	v58 =	vld [tilespmem:s6+$0xFFFFFFE0];
	v37 =	vadd.f32 v63, v14;
	v31 =	vmax.f32 v12, v31;
	v49 =	vpop (erf);
	v17 =	vsub.f32 v17, v36  }
0x95: {  	v59 =	vld [tilespmem:s1+$0x10];
	v34 =	vadd.f32 v50, v14;
	v26 =	vmul.f32 v49, v26;
	v30 =	vadd.f32 v30, v14  }
0x96: {  	v39 =	vmin.f32 v13, v53;
	v53 =	vld [tilespmem:s12+$0x0];
	v19 =	vadd.f32 v19, v14;
	v17 =	vmax.f32 v17, $0.0e+00  }
0x97: {  	v49 =	vld [tilespmem:s11+$0x0];
	vm8 =	vgt.f32 v26, v62;
	vm7 =	vgt.f32 v26, v15;
	v30 =	vsub.f32 v30, v17  }
0x98: {  	v19 =	vsub.f32 v19, v35;
	v32 =	vsel vm8, v26, v62;
	v26 =	vsel vm7, v26, v15;
	v15 =	vld [tilespmem:s11+$0xFFFFFFD0]  }
0x99: {  	v29 =	vmul.f32 v29, v16;
	v33 =	vadd.f32 v51, v14;
	v51 =	vld [tilespmem:s6+$0x0];
	v30 =	vmax.f32 v30, $1.000000010e-10  }
0x9a: {  	v27 =	vsel vm9, v55, v27;
	v19 =	vmax.f32 v19, $1.000000010e-10;
	(erf) = vrcp.f32 v30;
	v30 =	vld [tilespmem:s11+$0xFFFFFFC0]  }
0x9b: {  	v38 =	vmax.f32 v12, v52;
	vm15 =	vgt.f32 v29, v59;
	(erf) = vrcp.f32 v19;
	v19 =	vld [tilespmem:s6+$0xFFFFFFC0]  }
0x9c: {  	v38 =	vsub.f32 v39, v38;
	v36 =	vmin.f32 v13, v56;
	v39 =	vmin.f32 v13, v58  }
0x9d: {  	[tilespmem:s31+$0x30] =	vst v21;
	v21 =	vadd.f32 v53, v14;
	v31 =	vsub.f32 v36, v31;
	v15 =	vmax.f32 v12, v15  }
0x9e: {  	[tilespmem:s1+$0xFFFFFFC0] =	vst v25;
	v54 =	vmin.f32 v13, v51;
	v25 =	vmax.f32 v12, v49;
	v41 =	vsub.f32 v41, v15  }
0x9f: {  	v62 =	vmax.f32 v12, v44;
	[tilespmem:s1+$0x0] =	vst v32;
	v32 =	vsel vm7, v60, v27;
	v27 =	vsub.f32 v54, v25  }
0xa0: {  	[tilespmem:s1+$0xFFFFFFF0] =	vst v28;
	v16 =	vld [tilespmem:s31+$0x0];
	v28 =	vmax.f32 v41, $0.0e+00;
	v30 =	vmax.f32 v12, v30;
	v47 =	vmin.f32 v13, v19  }
0xa1: {  	s15 =	simm.s32 $0x2940;
	[tilespmem:s1+$0xFFFFFFE0] =	vst v23;
	v36 =	vsel vm15, v29, v59;
	v23 =	vsub.f32 v40, v28;
	v30 =	vsub.f32 v47, v30  }
0xa2: {  	[tilespmem:s1+$0xFFFFFFD0] =	vst v22;
	v52 =	vld [tilespmem:s15+$0x30];
	v39 =	vsub.f32 v39, v62;
	v27 =	vmax.f32 v27, $0.0e+00;
	v19 =	vmax.f32 v31, $0.0e+00  }
0xa3: {  	v56 =	vld [tilespmem:s31+$0xFFFFFFD0];
	v48 =	vmax.f32 v23, $1.000000010e-10;
	v37 =	vsub.f32 v37, v19;
	v30 =	vmax.f32 v30, $0.0e+00  }
0xa4: {  	[tilespmem:s1+$0x20] =	vst v24;
	v63 =	vld [tilespmem:s31+$0xFFFFFFF0];
	v15 =	vmax.f32 v38, $0.0e+00;
	(erf) = vrcp.f32 v48;
	v38 =	vsub.f32 v61, v30  }
0xa5: {  	v55 =	vld [tilespmem:s31+$0x20];
	v50 =	vsel vm8, v11, v16;
	v33 =	vsub.f32 v33, v15;
	v37 =	vmax.f32 v37, $1.000000010e-10  }
0xa6: {  	[tilespmem:s1+$0x10] =	vst v36;
	v31 =	vld [tilespmem:s31+$0xFFFFFFE0];
	v23 =	vmax.f32 v39, $0.0e+00;
	v16 =	vpop (erf);
	(erf) = vrcp.f32 v37;
	v24 =	vmax.f32 v38, $1.000000010e-10  }
0xa7: {  	v36 =	vld [tilespmem:s31+$0x10];
	v34 =	vsub.f32 v34, v23;
	v17 =	vmul.f32 v16, v17;
	v16 =	vpop (erf);
	(erf) = vrcp.f32 v24  }
0xa8: {  	v25 =	vld [tilespmem:s15+$0x20];
	v62 =	vsel vm3, v11, v56;
	v58 =	vsub.f32 v21, v27;
	v33 =	vmax.f32 v33, $1.000000010e-10  }
0xa9: {  	v34 =	vmax.f32 v34, $1.000000010e-10;
	v24 =	vsel vm6, v11, v63;
	vm6 =	vgt.f32 v17, v52  }
0xaa: {  	v57 =	vld [tilespmem:s15+$0xFFFFFFD0];
	v61 =	vsel vm4, v11, v55;
	v16 =	vmul.f32 v16, v35;
	v35 =	vsel vm6, v17, v52  }
0xab: {  	v22 =	vld [tilespmem:s31+$0xFFFFFFC0];
	s1 =	simm.s32 $0x2E40;
	v31 =	vsel vm5, v11, v31;
	vm5 =	vgt.f32 v29, v26;
	(erf) = vrcp.f32 v34;
	[tilespmem:s15+$0x30] =	vst v35  }
0xac: {  	[tilespmem:s31+$0xFFFFFFD0] =	vst v62;
	v26 =	vsel vm5, v29, v26;
	v29 =	vsel vm15, v11, v36;
	v32 =	vsel vm5, v45, v32;
	v59 =	vld [tilespmem:s1+$0x30]  }
0xad: {  	v21 =	vld [tilespmem:s15+$0xFFFFFFE0];
	vm7 =	vgt.f32 v18, v26;
	vm4 =	vgt.f32 v16, v25;
	[tilespmem:s31+$0xFFFFFFF0] =	vst v24;
	v24 =	vmax.f32 v58, $1.000000010e-10;
	v60 =	vpop (erf)  }
0xae: {  	[tilespmem:s31+$0xFFFFFFE0] =	vst v31;
	v63 =	vsel vm7, v18, v26;
	(erf) = vrcp.f32 v33;
	v31 =	vmul.f32 v60, v28;
	v28 =	vld [tilespmem:s15+$0xFFFFFFC0]  }
0xaf: {  	s17 =	sadd.s32 $0x80, s0;
	s7 =	simm.s32 $0x1AC0;
	s16 =	simm.s32 $0x2940;
	[tilespmem:s31+$0x10] =	vst v29;
	v29 =	vld [tilespmem:s15+$0xFFFFFFF0];
	v33 =	vsel vm7, v42, v32;
	vm5 =	vgt.f32 v20, v63;
	v32 =	vpop (erf);
	(erf) = vrcp.f32 v24  }
0xb0: {  	s18 =	sadd.s32 $0xFFFFFFA0, s17;
	s4 =	simm.s32 $0x8;
	s5 =	sadd.s32 $0x80, s17;
	[tilespmem:s31+$0x0] =	vst v50;
	v18 =	vld [tilespmem:s15+$0x10];
	v34 =	vor.u32 s0, v4;
	v35 =	vsel vm5, v20, v63;
	vm3 =	vgt.f32 v31, v57;
	v24 =	vpop (erf)  }
0xb1: {  	s9 =	simm.s32 $0x1FC0;
	s11 =	simm.s32 $0x24C0;
	s6 =	simm.s32 $0x2EC0;
	[tilespmem:s31+$0x20] =	vst v61;
	v26 =	vld [tilespmem:s15+$0x0];
	v20 =	vsel vm6, v11, v59;
	v30 =	vmul.f32 v24, v30;
	v24 =	vsel vm3, v31, v57  }
.LBB2_5:
0xb2: {  	s12 =	sadd.s32 $0xFFFFFFA0, s5;
	v36 =	vld [tilespmem:s7+$0xFFFFFFF0];
	s4 =	sadd.s32 $0x8, s4;
	v39 =	vsel vm4, v16, v25;
	s15 =	sadd.s32 $0x80, s15;
	v22 =	vsel vm2, v11, v22;
	v33 =	vsel vm5, v34, v33  }
0xb3: {  	s13 =	sadd.s32 $0xFFFFFF90, s17;
	v37 =	vor.u32 s18, v4;
	v34 =	vld [tilespmem:s11+$0x20];
	p1 =	slt.u32 s4, $0x48;
	vm2 =	vgt.f32 v30, v28;
	vm5 =	vgt.f32 v30, v35;
	[tilespmem:s31+$0xFFFFFFC0] =	vst v22;
	s18 =	smov.u32 s12  }
0xb4: {  	v38 =	vor.u32 s13, v4;
	s31 =	smov.u32 s1;
	s1 =	smov.u32 s6;
	v22 =	vld [tilespmem:s9+$0x20];
	v28 =	vsel vm2, v30, v28;
	v30 =	vsel vm5, v30, v35;
	[tilespmem:s16+$0x20] =	vst v39;
	v25 =	vpop (erf)  }
0xb5: {  	s12 =	sadd.s32 $0xFFFFFFB0, s17;
	v35 =	vld [tilespmem:s9+$0x30];
	[tilespmem:s16+$0xFFFFFFC0] =	vst v28;
	v28 =	vsel vm5, v38, v33;
	vm5 =	vgt.f32 v31, v30;
	v23 =	vmul.f32 v25, v23  }
0xb6: {  	v38 =	vor.u32 s12, v4;
	v25 =	vld [tilespmem:s11+$0xFFFFFFF0];
	v30 =	vsel vm5, v31, v30;
	v28 =	vsel vm5, v37, v28  }
0xb7: {  	v19 =	vmul.f32 v32, v19;
	v33 =	vld [tilespmem:s11+$0x30];
	vm5 =	vgt.f32 v23, v21;
	vm6 =	vgt.f32 v23, v30;
	v32 =	vpop (erf)  }
0xb8: {  	v34 =	vadd.f32 v34, v14;
	v37 =	vld [tilespmem:s7+$0x30];
	v30 =	vsel vm6, v23, v30;
	v28 =	vsel vm6, v38, v28;
	v31 =	vpop (erf)  }
0xb9: {  	vm6 =	vgt.f32 v19, v29;
	v38 =	vld [tilespmem:s7+$0x20];
	vm9 =	vgt.f32 v19, v30;
	v27 =	vmul.f32 v31, v27  }
0xba: {  	v21 =	vsel vm5, v23, v21;
	v23 =	vsel vm6, v19, v29;
	v31 =	vld [tilespmem:s11+$0xFFFFFFE0];
	v19 =	vsel vm9, v19, v30  }
0xbb: {  	v30 =	vmin.f32 v13, v35;
	v29 =	vld [tilespmem:s11+$0x10];
	[tilespmem:s16+$0xFFFFFFF0] =	vst v23;
	vm8 =	vgt.f32 v27, v26;
	vm7 =	vgt.f32 v27, v19  }
0xbc: {  	v22 =	vmin.f32 v13, v22;
	v23 =	vld [tilespmem:s7+$0x10];
	[tilespmem:s16+$0xFFFFFFE0] =	vst v21;
	v21 =	vsel vm8, v27, v26;
	v27 =	vsel vm7, v27, v19  }
0xbd: {  	s12 =	sadd.s32 $0xFFFFFFC0, s17;
	v33 =	vadd.f32 v33, v14;
	v19 =	vld [tilespmem:s9+$0x10];
	v26 =	vmax.f32 v12, v37;
	[tilespmem:s16+$0x0] =	vst v21  }
0xbe: {  	v21 =	vld [tilespmem:s7+$0xFFFFFFD0];
	v35 =	vmax.f32 v12, v38;
	v30 =	vsub.f32 v30, v26;
	v26 =	vor.u32 s12, v4;
	s12 =	sadd.s32 $0xFFFFFFF0, s17  }
0xbf: {  	s13 =	sadd.s32 $0xFFFFFFE0, s17;
	v37 =	vld [tilespmem:s11+$0xFFFFFFD0];
	v22 =	vsub.f32 v22, v35;
	v28 =	vsel vm9, v26, v28;
	v26 =	vor.u32 s12, v4  }
0xc0: {  	v36 =	vmax.f32 v12, v36;
	v38 =	vor.u32 s13, v4;
	v35 =	vld [tilespmem:s9+$0xFFFFFFD0];
	v30 =	vmax.f32 v30, $0.0e+00  }
0xc1: {  	v31 =	vadd.f32 v31, v14;
	v39 =	vld [tilespmem:s9+$0xFFFFFFF0];
	v40 =	vmax.f32 v22, $0.0e+00;
	v22 =	vsub.f32 v33, v30  }
0xc2: {  	v25 =	vadd.f32 v25, v14;
	v23 =	vmax.f32 v12, v23;
	v33 =	vld [tilespmem:s11+$0xFFFFFFC0];
	v34 =	vsub.f32 v34, v40  }
0xc3: {  	s12 =	sadd.s32 $0xFFFFFFD0, s17;
	v29 =	vadd.f32 v29, v14;
	v21 =	vmax.f32 v12, v21;
	v41 =	vld [tilespmem:s7+$0xFFFFFFE0];
	v22 =	vmax.f32 v22, $1.000000010e-10  }
0xc4: {  	v43 =	vor.u32 s12, v4;
	v19 =	vmin.f32 v13, v19;
	v42 =	vld [tilespmem:s7+$0xFFFFFFC0];
	(erf) = vrcp.f32 v22  }
0xc5: {  	v19 =	vsub.f32 v19, v23;
	v22 =	vadd.f32 v37, v14;
	v23 =	vmax.f32 v34, $1.000000010e-10;
	v37 =	vld [tilespmem:s9+$0xFFFFFFE0];
	[tilespmem:s16+$0xFFFFFFD0] =	vst v24  }
0xc6: {  	v34 =	vmin.f32 v13, v35;
	v24 =	vld [tilespmem:s9+$0xFFFFFFC0];
	v35 =	vmin.f32 v13, v39;
	(erf) = vrcp.f32 v23  }
0xc7: {  	v21 =	vsub.f32 v34, v21;
	v34 =	vmax.f32 v19, $0.0e+00;
	v23 =	vsub.f32 v35, v36;
	v35 =	vld [tilespmem:s31+$0xFFFFFFD0]  }
0xc8: {  	v32 =	vmul.f32 v32, v15;
	v33 =	vadd.f32 v33, v14;
	v29 =	vsub.f32 v29, v34;
	v36 =	vld [tilespmem:s31+$0x0];
	[tilespmem:s31+$0x30] =	vst v20  }
0xc9: {  	v15 =	vmovc v34;
	v39 =	vmax.f32 v21, $0.0e+00;
	v20 =	vmax.f32 v12, v42;
	v19 =	vmax.f32 v23, $0.0e+00;
	v42 =	vld [tilespmem:s31+$0xFFFFFFF0]  }
0xca: {  	v21 =	vsub.f32 v22, v39;
	v23 =	vmax.f32 v12, v41;
	v22 =	vmin.f32 v13, v37;
	v34 =	vld [tilespmem:s31+$0xFFFFFFE0]  }
0xcb: {  	vm9 =	vgt.f32 v32, v18;
	v24 =	vmin.f32 v13, v24;
	v23 =	vsub.f32 v22, v23;
	v22 =	vld [tilespmem:s31+$0xFFFFFFC0]  }
0xcc: {  	v18 =	vsel vm9, v32, v18;
	v21 =	vmax.f32 v21, $1.000000010e-10;
	v20 =	vsub.f32 v24, v20;
	v24 =	vld [tilespmem:s7+$0x0]  }
0xcd: {  	v25 =	vsub.f32 v25, v19;
	v23 =	vmax.f32 v23, $0.0e+00;
	v37 =	vld [tilespmem:s9+$0x0];
	v41 =	vpop (erf);
	v36 =	vsel vm8, v11, v36;
	[tilespmem:s16+$0x10] =	vst v18;
	s16 =	smov.u32 s15  }
0xce: {  	v20 =	vmax.f32 v20, $0.0e+00;
	v18 =	vsub.f32 v31, v23;
	(erf) = vrcp.f32 v21;
	[tilespmem:s31+$0x0] =	vst v36;
	v31 =	vld [tilespmem:s31+$0x10]  }
0xcf: {  	v25 =	vmax.f32 v25, $1.000000010e-10;
	v36 =	vmul.f32 v41, v30;
	v21 =	vsub.f32 v33, v20;
	v30 =	vld [tilespmem:s15+$0x30];
	v33 =	vpop (erf)  }
0xd0: {  	v18 =	vmax.f32 v18, $1.000000010e-10;
	v41 =	vld [tilespmem:s11+$0x0];
	v40 =	vmul.f32 v33, v40;
	(erf) = vrcp.f32 v25  }
0xd1: {  	v33 =	vsel vm5, v11, v34;
	vm5 =	vgt.f32 v32, v27;
	v25 =	vmax.f32 v21, $1.000000010e-10;
	v21 =	vld [tilespmem:s15+$0xFFFFFFE0]  }
0xd2: {  	v34 =	vmin.f32 v13, v37;
	(erf) = vrcp.f32 v25;
	[tilespmem:s31+$0xFFFFFFE0] =	vst v33;
	v25 =	vsel vm6, v11, v42;
	v33 =	vld [tilespmem:s31+$0x20]  }
0xd3: {  	v28 =	vsel vm7, v43, v28;
	v24 =	vmax.f32 v12, v24;
	v32 =	vsel vm5, v32, v27;
	[tilespmem:s31+$0xFFFFFFF0] =	vst v25  }
0xd4: {  	v24 =	vsub.f32 v34, v24;
	v27 =	vsel vm9, v11, v31;
	vm6 =	vgt.f32 v36, v30  }
0xd5: {  	vm7 =	vgt.f32 v16, v32;
	v31 =	vadd.f32 v41, v14;
	v25 =	vld [tilespmem:s15+$0x20];
	v30 =	vsel vm6, v36, v30;
	[tilespmem:s31+$0x10] =	vst v27  }
0xd6: {  	v27 =	vmax.f32 v24, $0.0e+00;
	v37 =	vld [tilespmem:s15+$0xFFFFFFD0];
	[tilespmem:s15+$0x30] =	vst v30;
	(erf) = vrcp.f32 v18;
	v18 =	vsel vm5, v38, v28  }
0xd7: {  	v29 =	vmax.f32 v29, $1.000000010e-10;
	v24 =	vsub.f32 v31, v27;
	v38 =	vld [tilespmem:s6+$0x30];
	v28 =	vpop (erf);
	v30 =	vsel vm4, v11, v33  }
.Ltmp3:
0xd8: {  	v33 =	vsel vm3, v11, v35;
	v31 =	vmul.f32 v28, v39;
	[tilespmem:s31+$0x20] =	vst v30;
	v30 =	vsel vm7, v16, v32;
	(pc) =	sbr.rel @p1 .LBB2_5-.Ltmp3, $4  }
0xd9: {  	v28 =	vld [tilespmem:s15+$0xFFFFFFC0];
	v35 =	vmax.f32 v24, $1.000000010e-10;
	v32 =	vpop (erf);
	(erf) = vrcp.f32 v29;
	[tilespmem:s31+$0xFFFFFFD0] =	vst v33;
	v33 =	vsel vm7, v26, v18  }
0xda: {  	v34 =	vor.u32 s17, v4;
	s17 =	smov.u32 s5;
	v16 =	vmovc v40;
	vm5 =	vgt.f32 v17, v30;
	v18 =	vld [tilespmem:s15+$0x10];
	(erf) = vrcp.f32 v35  }
0xdb: {  	s5 =	sadd.s32 $0x80, s5;
	s6 =	sadd.s32 $0x80, s6;
	vm4 =	vgt.f32 v16, v25;
	v35 =	vsel vm5, v17, v30;
	vm3 =	vgt.f32 v31, v37;
	v26 =	vld [tilespmem:s15+$0x0];
	v24 =	vpop (erf)  }
0xdc: {  	s7 =	sadd.s32 $0x80, s7;
	s9 =	sadd.s32 $0x80, s9;
	s11 =	sadd.s32 $0x80, s11;
	v17 =	vmovc v36;
	v30 =	vmul.f32 v24, v20;
	v24 =	vsel vm3, v31, v37;
	v29 =	vld [tilespmem:s15+$0xFFFFFFF0];
	v20 =	vsel vm6, v11, v38  }
0xdd: {  	_ = 	snop  }
0xde: {  	vm6 =	vgt.f32 v30, v35  }
0xdf: {  	v12 =	vsel vm6, v30, v35;
	v13 =	vpop (erf)  }
0xe0: {  	v13 =	vmul.f32 v13, v23;
	vm7 =	vgt.f32 v31, v12  }
0xe1: {  	v12 =	vsel vm7, v31, v12  }
0xe2: {  	v14 =	vmul.f32 v32, v19;
	vm8 =	vgt.f32 v13, v12;
	v32 =	vpop (erf)  }
0xe3: {  	v12 =	vsel vm8, v13, v12;
	v35 =	vpop (erf)  }
0xe4: {  	vm9 =	vgt.f32 v14, v12;
	v23 =	vmul.f32 v35, v27  }
0xe5: {  	v12 =	vsel vm9, v14, v12  }
0xe6: {  	v15 =	vmul.f32 v32, v15;
	vm10 =	vgt.f32 v23, v12  }
0xe7: {  	v12 =	vsel vm10, v23, v12  }
0xe8: {  	vm11 =	vgt.f32 v15, v12  }
0xe9: {  	v12 =	vsel vm11, v15, v12  }
0xea: {  	vm12 =	vgt.f32 v16, v12  }
0xeb: {  	v12 =	vsel vm12, v16, v12  }
0xec: {  	vm13 =	vgt.f32 v17, v12  }
0xed: {  	s4 =	sadd.s32 $0xFFFFFF90, s17;
	v12 =	vsel vm13, v17, v12  }
0xee: {  	v36 =	vsel vm5, v34, v33;
	v37 =	vor.u32 s4, v4;
	(xrf0) =	vmax.scan.msk.f32 $0xffff, v12  }
0xef: {  	v38 =	vor.u32 s18, v4;
	s12 =	sadd.s32 $0xFFFFFFB0, s17;
	v17 =	vsel vm6, v37, v36  }
0xf0: {  	s13 =	sadd.s32 $0xFFFFFFC0, s17;
	v39 =	vor.u32 s12, v4;
	v17 =	vsel vm7, v38, v17  }
0xf1: {  	s15 =	sadd.s32 $0xFFFFFFD0, s17;
	v40 =	vor.u32 s13, v4;
	v17 =	vsel vm8, v39, v17  }
0xf2: {  	s5 =	sadd.s32 $0xFFFFFFE0, s17;
	v41 =	vor.u32 s15, v4;
	v17 =	vsel vm9, v40, v17  }
0xf3: {  	s18 =	sadd.s32 $0xFFFFFFF0, s17;
	v42 =	vor.u32 s5, v4;
	v17 =	vsel vm10, v41, v17  }
0xf4: {  	v43 =	vor.u32 s18, v4;
	v17 =	vsel vm11, v42, v17;
	v44, _, _ =	vpop (xrf0)  }
0xf5: {  	v45 =	vor.u32 s17, v4;
	v17 =	vsel vm12, v43, v17;
	v19 =	vbroadcast v44, $0xF  }
0xf6: {  	v17 =	vsel vm13, v45, v17  }
0xf7: {  	v46 =	vxor.u32 $0x80000000, v17;
	vm11 =	veq.f32 v12, v19  }
0xf8: {  	v12 =	vnsel vm11, $0xC0000000, v46  }
0xf9: {  	(xrf0) =	vmin.scan.msk.u32 $0xffff, v12;
	_ =	sdelay $0x5  }
0xfa: {  	v12, _, _ =	vpop (xrf0)  }
0xfb: {  	(v2sf) =	vpush v12, $0xF;
	_ =	sdelay $0x1  }
0xfc: {  	[tilespmem:s16+$0xFFFFFFD0] =	vst v24  }
0xfd: {  	v47 =	vsel vm2, v11, v22;
	[tilespmem:s1+$0x30] =	vst v20  }
0xfe: {  	v48 =	vsel vm4, v16, v25;
	[tilespmem:s31+$0xFFFFFFC0] =	vst v47;
	vm15 =	vgt.f32 v30, v28  }
0xff: {  	[tilespmem:s16+$0x20] =	vst v48;
	v57 =	vld [tilespmem:s1+$0xFFFFFFD0];
	v54 =	vsel vm15, v30, v28;
	vm2 =	vgt.f32 v23, v26  }
0x100: {  	v56 =	vld [tilespmem:s1+$0x20];
	[tilespmem:s16+$0xFFFFFFC0] =	vst v54;
	vm14 =	vgt.f32 v15, v18;
	v49 =	vsel vm2, v23, v26  }
0x101: {  	v58 =	vld [tilespmem:s1+$0xFFFFFFC0];
	v53 =	vsel vm14, v15, v18;
	[tilespmem:s16+$0x0] =	vst v49;
	vm13 =	vgt.f32 v14, v29  }
0x102: {  	[tilespmem:s16+$0x10] =	vst v53;
	v51 =	vld [tilespmem:s1+$0x0];
	vm12 =	vgt.f32 v13, v21;
	v50 =	vsel vm13, v14, v29  }
0x103: {  	v13 =	vsel vm12, v13, v21;
	v14 =	vld [tilespmem:s1+$0x10];
	[tilespmem:s16+$0xFFFFFFF0] =	vst v50  }
0x104: {  	v62 =	vsel vm3, v11, v57;
	[tilespmem:s16+$0xFFFFFFE0] =	vst v13;
	v55 =	vld [tilespmem:s1+$0xFFFFFFF0]  }
0x105: {  	s30 =	sadd.s32 $0x1, s30;
	v61 =	vsel vm4, v11, v56;
	[tilespmem:s1+$0xFFFFFFD0] =	vst v62;
	v52 =	vld [tilespmem:s1+$0xFFFFFFE0]  }
0x106: {  	p1 =	sne.s32 s30, $0x10;
	[tilespmem:s1+$0x20] =	vst v61;
	v63 =	vsel vm15, v11, v58  }
.Ltmp4:
0x107: {  	[tilespmem:s1+$0xFFFFFFC0] =	vst v63;
	v13 =	vsel vm2, v11, v51;
	(pc) =	sbr.rel @p1 .LBB2_4-.Ltmp4, $4  }
0x108: {  	[tilespmem:s1+$0x0] =	vst v13;
	v60 =	vsel vm14, v11, v14  }
0x109: {  	[tilespmem:s1+$0x10] =	vst v60;
	v59 =	vsel vm13, v11, v55;
	s31 =	spop (v2sf)  }
0x10a: {  	vm2 =	veq.s32 v11, v4;
	[tilespmem:s1+$0xFFFFFFF0] =	vst v59;
	v12 =	vsel vm12, v11, v52;
	s4 =	sxor.u32 $0x80000000, s31  }
0x10b: {  	v9 =	vsel vm2, v19, v9;
	[tilespmem:s1+$0xFFFFFFE0] =	vst v12;
	v10 =	vsel vm2, s4, v10  }
0x10c: {  	[tilespmem:$0x3300] =	vst v9  }
0x10d: {  	[tilespmem:$0x3310] =	vst v10  }
0x10e: {  	[spmem:s10] =	stream.linear.scatter [tilespmem:s20], [sflag:$0x1], $0x20, $0x38;
	[tilespmem:$0x35A0] =	vst v63  }
0x10f: {  	_ =	swait.ge [sflag:s14], $0x20  }
0x110: {  	[sflag:s14] =	ssyncset.done $0x0  }
0x111: {  	[sflag:s14] =	ssyncadd.s32 $0xFFFFFFE0  }
0x112: {  	[bflag:$0x0] =	sbarrier.arrive $0xFFFF  }
0x113: {  	[tilespmem:s21], [sflag:$0x1] =	stream.linear.gather [spmem:s8], $0x20, $0x38;
	[tilespmem:$0x35A0] =	vst v63  }
0x114: {  	_ =	swait.ge [sflag:s14], $0x20  }
0x115: {  	[sflag:s14] =	ssyncset.done $0x0  }
0x116: {  	[sflag:s14] =	ssyncadd.s32 $0xFFFFFFE0  }
0x117: {  	s1 =	rddreg [dreg:$0x8];
	v8 =	vld [tilespmem:$0x3380]  }
0x118: {  	v9 =	vld [tilespmem:$0x3390];
	[tilespmem:s21], [sflag:$0x1] =	stream.linear.gather [spmem:s1], $0x20, $0x38  }
0x119: {  	_ =	swait.ge [sflag:s14], $0x20  }
0x11a: {  	[sflag:s14] =	ssyncset.done $0x0  }
0x11b: {  	[sflag:s14] =	ssyncadd.s32 $0xFFFFFFE0  }
0x11c: {  	s17 =	rddreg [dreg:$0x9];
	v10 =	vld [tilespmem:$0x3380]  }
0x11d: {  	v11 =	vld [tilespmem:$0x3390];
	[tilespmem:s21], [sflag:$0x1] =	stream.linear.gather [spmem:s17], $0x20, $0x38  }
0x11e: {  	_ =	swait.ge [sflag:s14], $0x20  }
0x11f: {  	[sflag:s14] =	ssyncset.done $0x0  }
0x120: {  	[sflag:s14] =	ssyncadd.s32 $0xFFFFFFE0  }
0x121: {  	s18 =	rddreg [dreg:$0xa];
	v12 =	vld [tilespmem:$0x3380]  }
0x122: {  	v13 =	vld [tilespmem:$0x3390];
	[tilespmem:s21], [sflag:$0x1] =	stream.linear.gather [spmem:s18], $0x20, $0x38  }
0x123: {  	_ =	swait.ge [sflag:s14], $0x20  }
0x124: {  	[sflag:s14] =	ssyncset.done $0x0  }
0x125: {  	[sflag:s14] =	ssyncadd.s32 $0xFFFFFFE0  }
0x126: {  	v14 =	vld [tilespmem:$0x3380]  }
0x127: {  	vm2 =	vgt.f32 v10, v8;
	v15 =	vld [tilespmem:$0x3390]  }
0x128: {  	s30 =	simm.s32 $0x0;
	v10 =	vsel vm2, v10, v8  }
0x129: {  	v8 =	vmov s30;
	vm3 =	vgt.f32 v12, v10  }
0x12a: {  	v9 =	vsel vm2, v11, v9;
	v10 =	vsel vm3, v12, v10  }
0x12b: {  	v9 =	vsel vm3, v13, v9;
	vm2 =	vgt.f32 v14, v10  }
0x12c: {  	[bflag:$0x0] =	sbarrier.arrive $0xFFFF;
	v9 =	vsel vm2, v15, v9  }
0x12d: {  	[tilespmem:$0x3280] =	vst v9  }
0x12e: {  	v9 =	vld.idx.msk [tilespmem:v8+s22+$0x0], $0xffff;
	_ =	sdelay $0x4  }
0x12f: {  	v9 =	vsub.s32 v9, v1  }
0x130: {  	vm3 =	veq.s32 v8, v4;
	vm2 =	vgt.s32 v9, $0x0;
	vm4 =	vlt.u32 v9, $0x500  }
0x131: {  	v9 =	vnsel vm2, $0x0, v9;
	vm2 =	vmand vm3, vm4  }
0x132: {  	v10 =	vmin.u32 v9, $0x4FF;
	_ =	sdelay $0x1  }
0x133: {  	s31 =	simm.s32 $0x1  }
0x134: {  	s1 =	simm.s32 $0x2;
	v9 =	vmov s31  }
.LBB2_8:
0x135: {  	p1 =	sne.s32 s1, $0xF  }
0x136: {  	[tilespmem:v10+s23+$0x0] =	vst.idx.msk vm2, v0  }
0x137: {  	[tilespmem:v10+s25+$0x0] =	vst.idx.msk vm2, v8;
	v8 =	vmov v9  }
0x138: {  	v9 =	vld.idx.msk [tilespmem:v9+s22+$0x0], $0xffff;
	_ =	sdelay $0x5  }
0x139: {  	v9 =	vsub.s32 v9, v1  }
0x13a: {  	vm2 =	veq.s32 v8, v4;
	vm3 =	vlt.u32 v9, $0x500;
	vm4 =	vgt.s32 v9, $0x0  }
.Ltmp5:
0x13b: {  	vm2 =	vmand vm2, vm3;
	v9 =	vnsel vm4, $0x0, v9;
	(pc) =	sbr.rel @p1 .LBB2_8-.Ltmp5, $3  }
0x13c: {  	v10 =	vmin.u32 v9, $0x4FF;
	_ =	sdelay $0x1  }
0x13d: {  	v9 =	vmov s1  }
0x13e: {  	s1 =	sadd.s32 $0x1, s1  }
0x13f: {  	_ =	sdelay $0x4  }
0x140: {  	[tilespmem:v10+s23+$0x0] =	vst.idx.msk vm2, v0  }
0x141: {  	[tilespmem:v10+s25+$0x0] =	vst.idx.msk vm2, v8  }
0x142: {  	v8 =	vld.idx.msk [tilespmem:v9+s22+$0x0], $0xffff;
	_ =	sdelay $0x4  }
0x143: {  	v8 =	vsub.s32 v8, v1  }
0x144: {  	vm2 =	veq.s32 v9, v4;
	vm3 =	vlt.u32 v8, $0x500;
	vm4 =	vgt.s32 v8, $0x0  }
0x145: {  	vm2 =	vmand vm2, vm3;
	v8 =	vnsel vm4, $0x0, v8  }
0x146: {  	v8 =	vmin.u32 v8, $0x4FF  }
0x147: {  	v10 =	vmul.u32 $0x3, v4;
	_ =	sdelay $0x1  }
0x148: {  	v11 =	vadd.s32 $0x1, v10;
	_ =	sdelay $0x1  }
0x149: {  	[tilespmem:v8+s23+$0x0] =	vst.idx.msk vm2, v0  }
0x14a: {  	[tilespmem:v8+s25+$0x0] =	vst.idx.msk vm2, v9  }
0x14b: {  	v8 =	vld.idx.msk [tilespmem:v10+s19+$0x0], $0xffff  }
0x14c: {  	v9 =	vld.idx.msk [tilespmem:v11+s19+$0x0], $0xffff;
	_ =	sdelay $0x4  }
0x14d: {  	v10 =	vadd.f32 v9, v8  }
0x14e: {  	v8 =	vsub.f32 v9, v8  }
0x14f: {  	v10 =	vmul.f32 v10, v2  }
0x150: {  	[tilespmem:$0x3480] =	vst v8  }
0x151: {  	s1 =	simm.s32 $0x510;
	[tilespmem:$0x3400] =	vst v10  }
0x152: {  	v8 =	vld [tilespmem:s1+$0xFFFFFFF0];
	_ =	sdelay $0x1  }
0x153: {  	s4 =	simm.s32 $0x2D90;
	v9 =	vld [tilespmem:s1+$0x0]  }
0x154: {  	v10 =	vld [tilespmem:s4+$0xFFFFFFF0];
	_ =	sdelay $0x1  }
0x155: {  	v11 =	vld [tilespmem:s4+$0x0];
	v12 =	vmul.f32 $1.000000010e-01, v8  }
0x156: {  	(erf) = vrcp.f32 v8  }
0x157: {  	(erf) = vrcp.f32 v12  }
0x158: {  	(erf) = vrcp.f32 v9;
	_ =	sdelay $0x2  }
0x159: {  	v8 =	vld.idx.msk [tilespmem:v10+s28+$0x0], $0xffff;
	_ =	sdelay $0x1  }
0x15a: {  	v12 =	vld.idx.msk [tilespmem:v11+s28+$0x0], $0xffff;
	_ =	sdelay $0x1  }
0x15b: {  	v13 =	vpop (erf)  }
0x15c: {  	v8 =	vmul.f32 v8, v13;
	v14 =	vpop (erf)  }
0x15d: {  	v15 =	vpop (erf)  }
0x15e: {  	v13 =	vmax.f32 v8, $1.000000010e-10;
	v12 =	vmul.f32 v12, v15  }
0x15f: {  	v8 =	vand.u32 $0x7FFFFF, v13  }
0x160: {  	v8 =	vor.u32 $0x3F800000, v8;
	v12 =	vmax.f32 v12, $1.000000010e-10  }
0x161: {  	v16 =	vmul.f32 $5.000000000e-01, v8;
	v15 =	vand.u32 $0x7FFFFF, v12  }
0x162: {  	s15 =	simm.s32 $0x2890;
	vm5 =	vgt.f32 v8, $1.414213540e+00;
	v15 =	vor.u32 $0x3F800000, v15  }
0x163: {  	s16 =	simm.s32 $0x1410;
	v17 =	vld [tilespmem:s15+$0xFFFFFFF0];
	v9 =	vmul.f32 $1.000000010e-01, v9;
	v16 =	vsel vm5, v16, v8;
	v18 =	vmul.f32 $5.000000000e-01, v15  }
0x164: {  	v19 =	vld [tilespmem:s16+$0xFFFFFFF0];
	vm2 =	vgt.f32 v15, $1.414213540e+00;
	v8 =	vadd.f32 $1.000000000e+00, v16  }
0x165: {  	v20 =	vld [tilespmem:s16+$0x0];
	(erf) = vrcp.f32 v9;
	v15 =	vsel vm2, v18, v15  }
0x166: {  	s30 =	simm.s32 $0x530;
	v18 =	vld [tilespmem:s15+$0x0];
	(erf) = vrcp.f32 v8;
	v9 =	vadd.f32 $1.000000000e+00, v15  }
0x167: {  	v21 =	vld [tilespmem:s30+$0xFFFFFFF0]  }
0x168: {  	s17 =	simm.s32 $0x10;
	(erf) = vrcp.f32 v9;
	v9 =	vld.idx.msk [tilespmem:v11+s26+$0x0], $0xffff  }
0x169: {  	vm3 =	vge.f32 v17, $5.000000000e-01;
	vm4 =	veq.f32 v19, $0.0e+00;
	v11 =	vld [tilespmem:s17+$0x0]  }
0x16a: {  	vm3 =	vmand vm3, vm4;
	vm4 =	veq.f32 v20, $0.0e+00;
	v10 =	vld.idx.msk [tilespmem:v10+s26+$0x0], $0xffff  }
0x16b: {  	v17 =	vsel vm3, $0x3F800000, v5;
	v8 =	vimm.f32 $0.0e+00;
	vm6 =	vge.f32 v18, $5.000000000e-01;
	v18 =	vld [tilespmem:s17+$0xFFFFFFF0]  }
0x16c: {  	s1 =	simm.s32 $0x1430;
	v17 =	vadd.f32 v17, v8;
	vm4 =	vmand vm6, vm4  }
0x16d: {  	s18 =	simm.s32 $0xA10;
	v23 =	vld [tilespmem:s1+$0x0];
	v13 =	vshrl.u32 v13, $0x17;
	v16 =	vadd.f32 $-1.000000000e+00, v16;
	v19 =	vsel vm4, $0x3F800000, v5  }
0x16e: {  	v22 =	vsel vm5, $0xFFFFFF82, v7;
	v17 =	vadd.f32 v19, v17;
	v19 =	vld [tilespmem:s18+$0x0];
	v9 =	vsub.f32 v9, v11;
	v11 =	vpop (erf)  }
0x16f: {  	vm3 =	vmmov vm3;
	v12 =	vshrl.u32 v12, $0x17;
	v13 =	vadd.s32 v13, v22;
	v24 =	vpop (erf)  }
0x170: {  	v20 =	vld [tilespmem:s18+$0xFFFFFFF0];
	s15 =	simm.s32 $0x2DB0;
	(erf) = vrcp.f32 v21;
	v16 =	vmul.f32 v24, v16;
	v10 =	vsub.f32 v10, v18  }
0x171: {  	s5 =	simm.s32 $0x28B0;
	v15 =	vadd.f32 $-1.000000000e+00, v15;
	v27 =	vld [tilespmem:s15+$0xFFFFFFF0];
	v9 =	vmul.f32 v9, v11;
	v18 =	vcvt.s32.f32 v13  }
0x172: {  	vm6 =	veq.f32 v23, $0.0e+00;
	v13 =	vld [tilespmem:s5+$0xFFFFFFF0];
	v22 =	vpop (erf);
	v24 =	vmul.f32 v16, v16;
	v10 =	vmul.f32 v10, v14  }
0x173: {  	v16 =	vadd.f32 v16, v16;
	v15 =	vmul.f32 v22, v15;
	v9 =	vsub.f32 v19, v9;
	v19 =	vld [tilespmem:s1+$0xFFFFFFF0]  }
0x174: {  	v14 =	vld [tilespmem:s30+$0x0];
	v30 =	vmul.f32 $6.931471820e-01, v18;
	v22 =	vsel vm2, $0xFFFFFF82, v7;
	v26 =	vmul.f32 $1.111111120e-01, v24  }
0x175: {  	v12 =	vadd.s32 v12, v22;
	v22 =	vmul.f32 v15, v15;
	v25 =	vand.u32 $0x7FFFFFFF, v9;
	v9 =	vld [tilespmem:s5+$0x0]  }
0x176: {  	v11 =	vld [tilespmem:s15+$0x0];
	v10 =	vsub.f32 v20, v10;
	v20 =	vmul.f32 $1.000000010e-01, v21;
	v21 =	vadd.f32 $1.428571490e-01, v26  }
0x177: {  	vm2 =	vmmov vm4;
	v12 =	vcvt.s32.f32 v12;
	v28 =	vmul.f32 $1.111111120e-01, v22  }
0x178: {  	(erf) = vrcp.f32 v20;
	vm5 =	veq.f32 v19, $0.0e+00;
	v19 =	vmul.f32 v21, v24  }
0x179: {  	vm4 =	vge.f32 v13, $5.000000000e-01;
	(erf) = vrcp.f32 v14;
	v13 =	vadd.f32 $1.428571490e-01, v28  }
0x17a: {  	vm7 =	vmand vm4, vm5;
	vm4 =	vge.f32 v9, $5.000000000e-01;
	v9 =	vadd.f32 $2.000000030e-01, v19  }
0x17b: {  	s4 =	simm.s32 $0x30;
	v55 =	vadd.f32 v15, v15;
	v23 =	vmul.f32 $5.000000000e-01, v25;
	v13 =	vmul.f32 v13, v22  }
0x17c: {  	v56 =	vld [tilespmem:s4+$0x0];
	v53 =	vadd.f32 $-5.000000000e-01, v25;
	v20 =	vsel vm7, $0x3F800000, v5;
	v21 =	vmul.f32 v9, v24  }
0x17d: {  	v51 =	vld.idx.msk [tilespmem:v27+s28+$0x0], $0xffff;
	v17 =	vadd.f32 v20, v17;
	vm4 =	vmand vm4, vm6;
	v13 =	vadd.f32 $2.000000030e-01, v13  }
0x17e: {  	v14 =	vmul.f32 $1.000000010e-01, v14;
	v12 =	vmul.f32 $6.931471820e-01, v12;
	v19 =	vld.idx.msk [tilespmem:v11+s28+$0x0], $0xffff;
	v20 =	vsel vm4, $0x3F800000, v5  }
0x17f: {  	v11 =	vld.idx.msk [tilespmem:v11+s26+$0x0], $0xffff;
	v9 =	vadd.f32 v20, v17;
	v17 =	vadd.f32 $3.333333430e-01, v21;
	v13 =	vmul.f32 v13, v22  }
0x180: {  	vm5 =	vmmov vm3;
	vm3 =	vmmov vm7;
	v20 =	vmul.f32 v23, v25;
	v21 =	vpop (erf)  }
0x181: {  	v23 =	vadd.f32 $3.333333430e-01, v13;
	v52 =	vpop (erf);
	(erf) = vrcp.f32 v14;
	v14 =	vmul.f32 v17, v24  }
0x182: {  	vm6 =	vlt.f32 v25, $1.000000000e+00;
	v13 =	vand.u32 $0x7FFFFFFF, v10;
	v21 =	vmul.f32 v51, v21;
	v54 =	vpop (erf)  }
0x183: {  	v10 =	vmul.f32 v23, v22;
	v19 =	vmul.f32 v19, v54;
	v14 =	vadd.f32 $1.000000000e+00, v14  }
0x184: {  	v11 =	vsub.f32 v11, v56;
	v17 =	vld.idx.msk [tilespmem:v27+s26+$0x0], $0xffff;
	v23 =	vmul.f32 $5.000000000e-01, v13;
	v21 =	vmax.f32 v21, $1.000000010e-10  }
0x185: {  	v22 =	vld [tilespmem:s4+$0xFFFFFFF0];
	v10 =	vadd.f32 $1.000000000e+00, v10;
	v19 =	vmax.f32 v19, $1.000000010e-10;
	v14 =	vmul.f32 v14, v16  }
0x186: {  	v16 =	vand.u32 $0x7FFFFF, v21;
	v15 =	vmul.f32 v23, v13;
	v21 =	vshrl.u32 v21, $0x17  }
0x187: {  	v57 =	vand.u32 $0x7FFFFF, v19;
	v16 =	vor.u32 $0x3F800000, v16;
	v19 =	vshrl.u32 v19, $0x17  }
0x188: {  	s6 =	simm.s32 $0xA30;
	v23 =	vor.u32 $0x3F800000, v57;
	vm7 =	vgt.f32 v16, $1.414213540e+00;
	v58 =	vmul.f32 $5.000000000e-01, v16  }
0x189: {  	s31 =	simm.s32 $0xF10;
	v59 =	vld [tilespmem:s6+$0x0];
	v14 =	vadd.f32 v14, v30;
	v25 =	vmul.f32 v10, v55;
	v29 =	vmul.f32 $5.000000000e-01, v23  }
0x18a: {  	v22 =	vsub.f32 v17, v22;
	vm8 =	vgt.f32 v23, $1.414213540e+00;
	v18 =	vsel vm7, v58, v16;
	v16 =	vld [tilespmem:s31+$0xFFFFFFF0]  }
0x18b: {  	v60 =	vsel vm7, $0xFFFFFF82, v7;
	v17 =	vsel vm8, v29, v23;
	v23 =	vadd.f32 $1.000000000e+00, v18  }
0x18c: {  	v61 =	vld [tilespmem:s6+$0xFFFFFFF0];
	v14 =	vmul.f32 v14, v6;
	v10 =	vpop (erf);
	v22 =	vmul.f32 v22, v52;
	v29 =	vadd.f32 $1.000000000e+00, v17  }
0x18d: {  	v21 =	vadd.s32 v21, v60;
	v11 =	vmul.f32 v11, v10;
	(erf) = vrcp.f32 v23;
	v23 =	vld [tilespmem:s31+$0x0]  }
0x18e: {  	v12 =	vadd.f32 v25, v12;
	v10 =	vcvt.s32.f32 v21;
	(erf) = vrcp.f32 v29  }
0x18f: {  	v21 =	vsel vm8, $0xFFFFFF82, v7;
	v11 =	vsub.f32 v59, v11;
	v62 =	vsub.f32 v16, v14  }
0x190: {  	v63 =	vmul.f32 v12, v6;
	v21 =	vadd.s32 v19, v21;
	v16 =	vsel vm6, v20, v53  }
0x191: {  	s7 =	simm.s32 $0x2;
	v14 =	vsub.f32 v61, v22;
	v12 =	vand.u32 $0x7FFFFFFF, v11;
	v19 =	vand.u32 $0x7FFFFFFF, v62  }
0x192: {  	s9 =	simm.s32 $0x550;
	s11 =	simm.s32 $0x28D0;
	s5 =	simm.s32 $0xF30;
	v11 =	vcvt.s32.f32 v21;
	v21 =	vmul.f32 $5.000000000e-01, v19;
	v20 =	vsub.f32 v23, v63  }
.LBB2_10:
0x193: {  	vm7 =	vlt.f32 v13, $1.000000000e+00;
	v13 =	vadd.f32 $-5.000000000e-01, v13  }
0x194: {  	v22 =	vld [tilespmem:s9+$0xFFFFFFF0];
	s7 =	sadd.s32 $0x2, s7;
	s1 =	sadd.s32 $0x20, s1;
	s15 =	sadd.s32 $0x20, s15;
	v23 =	vadd.f32 $-5.000000000e-01, v19;
	vm6 =	vmmov vm2;
	vm2 =	vmmov vm4  }
0x195: {  	v18 =	vadd.f32 $-1.000000000e+00, v18;
	v24 =	vld [tilespmem:s1+$0x0];
	p1 =	slt.u32 s7, $0x4E;
	v21 =	vmul.f32 v21, v19;
	v20 =	vand.u32 $0x7FFFFFFF, v20  }
0x196: {  	v17 =	vadd.f32 $-1.000000000e+00, v17;
	vm4 =	vlt.f32 v19, $1.000000000e+00;
	v25 =	vld [tilespmem:s15+$0x0];
	v26 =	vpop (erf);
	v19 =	vmul.f32 $5.000000000e-01, v20  }
0x197: {  	v13 =	vsel vm7, v15, v13;
	v27 =	vld [tilespmem:s11+$0x0];
	v18 =	vmul.f32 v26, v18;
	v26 =	vpop (erf);
	v15 =	vsel vm4, v21, v23  }
0x198: {  	vm4 =	vlt.f32 v20, $1.000000000e+00;
	v21 =	vld [tilespmem:s11+$0xFFFFFFF0];
	v17 =	vmul.f32 v26, v17;
	v19 =	vmul.f32 v19, v20  }
0x199: {  	v20 =	vadd.f32 $-5.000000000e-01, v20;
	v23 =	vld [tilespmem:s1+$0xFFFFFFF0];
	(erf) = vrcp.f32 v22;
	v26 =	vmul.f32 v18, v18  }
0x19a: {  	v22 =	vmul.f32 $1.000000010e-01, v22;
	v28 =	vld [tilespmem:s9+$0x0];
	vm8 =	veq.f32 v24, $0.0e+00;
	v24 =	vmul.f32 v17, v17  }
0x19b: {  	v13 =	vadd.f32 v15, v13;
	v15 =	vsel vm4, v19, v20;
	v29 =	vld [tilespmem:s15+$0xFFFFFFF0];
	v30 =	vmul.f32 $1.111111120e-01, v26  }
0x19c: {  	v15 =	vadd.f32 v15, v16;
	(erf) = vrcp.f32 v22;
	v19 =	vmul.f32 $1.111111120e-01, v24  }
0x19d: {  	v13 =	vnsel vm5, $0x0, v13;
	vm4 =	vge.f32 v21, $5.000000000e-01;
	v16 =	vadd.f32 $1.428571490e-01, v30  }
0x19e: {  	v15 =	vnsel vm6, $0x0, v15;
	vm5 =	veq.f32 v23, $0.0e+00;
	v19 =	vadd.f32 $1.428571490e-01, v19  }
0x19f: {  	vm7 =	vmand vm4, vm5;
	(erf) = vrcp.f32 v28;
	v16 =	vmul.f32 v16, v26  }
0x1a0: {  	vm4 =	vge.f32 v27, $5.000000000e-01;
	v20 =	vsel vm7, $0x3F800000, v5;
	v21 =	vld.idx.msk [tilespmem:v25+s28+$0x0], $0xffff;
	v19 =	vmul.f32 v19, v24  }
0x1a1: {  	vm4 =	vmand vm4, vm8;
	v9 =	vadd.f32 v20, v9;
	v16 =	vadd.f32 $2.000000030e-01, v16  }
0x1a2: {  	v8 =	vadd.f32 v13, v8;
	v20 =	vsel vm4, $0x3F800000, v5;
	v22 =	vpop (erf);
	v19 =	vadd.f32 $2.000000030e-01, v19  }
0x1a3: {  	v23 =	vld.idx.msk [tilespmem:v29+s28+$0x0], $0xffff;
	v9 =	vadd.f32 v20, v9;
	v13 =	vmul.f32 v16, v26;
	v16 =	vmul.f32 $5.000000000e-01, v12  }
0x1a4: {  	v8 =	vadd.f32 v15, v8;
	vm5 =	vmmov vm3;
	v19 =	vmul.f32 v19, v24  }
0x1a5: {  	v15 =	vmul.f32 $1.000000010e-01, v28;
	v20 =	vpop (erf);
	v13 =	vadd.f32 $3.333333430e-01, v13;
	v16 =	vmul.f32 v16, v12  }
0x1a6: {  	vm6 =	vlt.f32 v12, $1.000000000e+00;
	vm3 =	vmmov vm7;
	v19 =	vadd.f32 $3.333333430e-01, v19  }
0x1a7: {  	v12 =	vadd.f32 $-5.000000000e-01, v12;
	(erf) = vrcp.f32 v15;
	v15 =	vmul.f32 v13, v26  }
0x1a8: {  	s4 =	sadd.s32 $0x20, s4;
	v18 =	vadd.f32 v18, v18;
	v13 =	vand.u32 $0x7FFFFFFF, v14;
	v26 =	vld.idx.msk [tilespmem:v29+s26+$0x0], $0xffff;
	v27 =	vpop (erf);
	v14 =	vmul.f32 v19, v24  }
0x1a9: {  	v22 =	vmul.f32 v23, v22;
	v19 =	vld [tilespmem:s4+$0xFFFFFFF0];
	v21 =	vmul.f32 v21, v27;
	v15 =	vadd.f32 $1.000000000e+00, v15  }
0x1aa: {  	v24 =	vmul.f32 $5.000000000e-01, v13;
	v23 =	vld.idx.msk [tilespmem:v25+s26+$0x0], $0xffff;
	v14 =	vadd.f32 $1.000000000e+00, v14;
	v25 =	vadd.f32 v17, v17  }
0x1ab: {  	v22 =	vmax.f32 v22, $1.000000010e-10;
	v17 =	vld [tilespmem:s4+$0x0];
	v21 =	vmax.f32 v21, $1.000000010e-10;
	v27 =	vmul.f32 v15, v18  }
0x1ac: {  	s6 =	sadd.s32 $0x20, s6;
	v18 =	vand.u32 $0x7FFFFF, v22;
	v15 =	vmul.f32 v24, v13;
	v28 =	vand.u32 $0x7FFFFF, v21  }
0x1ad: {  	v18 =	vor.u32 $0x3F800000, v18;
	v21 =	vshrl.u32 v21, $0x17;
	v24 =	vld [tilespmem:s6+$0xFFFFFFF0];
	v28 =	vor.u32 $0x3F800000, v28  }
0x1ae: {  	vm7 =	vgt.f32 v18, $1.414213540e+00;
	v29 =	vmul.f32 $5.000000000e-01, v18;
	v30 =	vmul.f32 $5.000000000e-01, v28  }
0x1af: {  	v10 =	vmul.f32 $6.931471820e-01, v10;
	v19 =	vsub.f32 v26, v19;
	vm8 =	vgt.f32 v28, $1.414213540e+00  }
0x1b0: {  	v18 =	vsel vm7, v29, v18;
	v23 =	vsub.f32 v23, v17;
	v17 =	vsel vm8, v30, v28;
	v26 =	vpop (erf);
	v28 =	vld [tilespmem:s5+$0xFFFFFFF0]  }
0x1b1: {  	v11 =	vmul.f32 $6.931471820e-01, v11;
	v10 =	vadd.f32 v27, v10;
	v29 =	vadd.f32 $1.000000000e+00, v18;
	v30 =	vld [tilespmem:s6+$0x0]  }
0x1b2: {  	v14 =	vmul.f32 v14, v25;
	v27 =	vsel vm7, $0xFFFFFF82, v7;
	v31 =	vadd.f32 $1.000000000e+00, v17  }
0x1b3: {  	v22 =	vshrl.u32 v22, $0x17;
	v25 =	vmul.f32 v10, v6;
	(erf) = vrcp.f32 v29  }
0x1b4: {  	v10 =	vadd.s32 v22, v27;
	v22 =	vmul.f32 v23, v26;
	(erf) = vrcp.f32 v31;
	v23 =	vld [tilespmem:s5+$0x0]  }
.Ltmp6:
0x1b5: {  	v11 =	vadd.f32 v14, v11;
	v10 =	vcvt.s32.f32 v10;
	v26 =	vsel vm8, $0xFFFFFF82, v7;
	(pc) =	sbr.rel @p1 .LBB2_10-.Ltmp6, $4  }
0x1b6: {  	v14 =	vmul.f32 v19, v20;
	v20 =	vsub.f32 v28, v25;
	v19 =	vsub.f32 v30, v22  }
0x1b7: {  	v16 =	vsel vm6, v16, v12;
	v21 =	vadd.s32 v21, v26;
	v22 =	vmul.f32 v11, v6  }
0x1b8: {  	v14 =	vsub.f32 v24, v14;
	v12 =	vand.u32 $0x7FFFFFFF, v19;
	v19 =	vand.u32 $0x7FFFFFFF, v20  }
0x1b9: {  	s11 =	sadd.s32 $0x20, s11;
	s9 =	sadd.s32 $0x20, s9;
	s5 =	sadd.s32 $0x20, s5;
	v11 =	vcvt.s32.f32 v21;
	v21 =	vmul.f32 $5.000000000e-01, v19;
	v20 =	vsub.f32 v23, v22  }
0x1ba: {  	_ = 	snop  }
0x1bb: {  	v18 =	vadd.f32 $-1.000000000e+00, v18  }
0x1bc: {  	v22 =	vpop (erf)  }
0x1bd: {  	v17 =	vadd.f32 $-1.000000000e+00, v17;
	v18 =	vmul.f32 v22, v18  }
0x1be: {  	v43 =	vpop (erf)  }
0x1bf: {  	v17 =	vmul.f32 v43, v17;
	v44 =	vmul.f32 v18, v18;
	_ =	sdelay $0x1  }
0x1c0: {  	v23 =	vmul.f32 v17, v17;
	v24 =	vmul.f32 $1.111111120e-01, v44;
	_ =	sdelay $0x1  }
0x1c1: {  	v25 =	vmul.f32 $1.111111120e-01, v23;
	v24 =	vadd.f32 $1.428571490e-01, v24;
	_ =	sdelay $0x1  }
0x1c2: {  	v25 =	vadd.f32 $1.428571490e-01, v25;
	v24 =	vmul.f32 v24, v44;
	_ =	sdelay $0x1  }
0x1c3: {  	v25 =	vmul.f32 v25, v23;
	v24 =	vadd.f32 $2.000000030e-01, v24;
	_ =	sdelay $0x1  }
0x1c4: {  	v25 =	vadd.f32 $2.000000030e-01, v25;
	v24 =	vmul.f32 v24, v44;
	_ =	sdelay $0x1  }
0x1c5: {  	v25 =	vmul.f32 v25, v23;
	v24 =	vadd.f32 $3.333333430e-01, v24  }
0x1c6: {  	vm6 =	vlt.f32 v13, $1.000000000e+00;
	v45 =	vadd.f32 $-5.000000000e-01, v13  }
0x1c7: {  	vm7 =	vlt.f32 v19, $1.000000000e+00;
	v25 =	vadd.f32 $3.333333430e-01, v25;
	v22 =	vmul.f32 v24, v44  }
0x1c8: {  	v46 =	vadd.f32 $-5.000000000e-01, v19;
	v10 =	vmul.f32 $6.931471820e-01, v10;
	vm2 =	vmmov vm2  }
0x1c9: {  	v18 =	vadd.f32 v18, v18;
	v23 =	vmul.f32 v25, v23;
	v22 =	vadd.f32 $1.000000000e+00, v22  }
0x1ca: {  	v14 =	vand.u32 $0x7FFFFFFF, v14;
	v21 =	vmul.f32 v21, v19;
	v20 =	vand.u32 $0x7FFFFFFF, v20  }
0x1cb: {  	v17 =	vadd.f32 v17, v17;
	v23 =	vadd.f32 $1.000000000e+00, v23;
	v18 =	vmul.f32 v22, v18  }
0x1cc: {  	v49 =	vld [tilespmem:s5+$0xFFFFFFF0];
	v11 =	vmul.f32 $6.931471820e-01, v11;
	v13 =	vsel vm6, v15, v45;
	v47 =	vmul.f32 $5.000000000e-01, v20  }
0x1cd: {  	v48 =	vadd.f32 $-5.000000000e-01, v20;
	v17 =	vmul.f32 v23, v17;
	v10 =	vadd.f32 v18, v10  }
0x1ce: {  	v50 =	vld [tilespmem:s5+$0x0];
	vm13 =	vlt.f32 v20, $1.000000000e+00;
	v19 =	vsel vm7, v21, v46;
	v15 =	vmul.f32 v47, v20  }
0x1cf: {  	v13 =	vadd.f32 v19, v13;
	v11 =	vadd.f32 v17, v11;
	v10 =	vmul.f32 v10, v6  }
0x1d0: {  	v56 =	vadd.f32 $-5.000000000e-01, v12;
	v52 =	vmul.f32 $5.000000000e-01, v14;
	v15 =	vsel vm13, v15, v48  }
0x1d1: {  	v13 =	vnsel vm5, $0x0, v13;
	v11 =	vmul.f32 v11, v6;
	v10 =	vsub.f32 v49, v10  }
0x1d2: {  	v51 =	vmul.f32 $5.000000000e-01, v12;
	v15 =	vadd.f32 v15, v16;
	v8 =	vadd.f32 v13, v8  }
0x1d3: {  	v13 =	vmul.f32 v52, v14;
	v11 =	vsub.f32 v50, v11;
	v10 =	vand.u32 $0x7FFFFFFF, v10  }
0x1d4: {  	v15 =	vnsel vm2, $0x0, v15;
	vm2 =	vlt.f32 v14, $1.000000000e+00;
	v53 =	vmul.f32 $5.000000000e-01, v10  }
0x1d5: {  	v14 =	vadd.f32 $-5.000000000e-01, v14;
	v8 =	vadd.f32 v15, v8;
	v11 =	vand.u32 $0x7FFFFFFF, v11  }
0x1d6: {  	v54 =	vadd.f32 $-5.000000000e-01, v10;
	v55 =	vmul.f32 $5.000000000e-01, v11;
	v15 =	vmul.f32 v53, v10  }
0x1d7: {  	v16 =	vmul.f32 v51, v12;
	v57 =	vsel vm2, v13, v14;
	vm14 =	vlt.f32 v10, $1.000000000e+00  }
0x1d8: {  	v60 =	vadd.f32 $-5.000000000e-01, v11;
	v59 =	vmul.f32 v55, v11;
	v58 =	vsel vm14, v15, v54  }
0x1d9: {  	vm2 =	vlt.f32 v12, $1.000000000e+00;
	vm15 =	vlt.f32 v11, $1.000000000e+00;
	v10 =	vadd.f32 v58, v57  }
0x1da: {  	vm3 =	vmmov vm3;
	v61 =	vsel vm2, v16, v56;
	v62 =	vsel vm15, v59, v60  }
0x1db: {  	vm2 =	vmmov vm4;
	v11 =	vadd.f32 v62, v61;
	v10 =	vnsel vm3, $0x0, v10  }
0x1dc: {  	vm2 =	vmmov vm2;
	v8 =	vadd.f32 v10, v8  }
0x1dd: {  	v63 =	vnsel vm2, $0x0, v11  }
0x1de: {  	v8 =	vadd.f32 v63, v8;
	_ =	sdelay $0x1  }
0x1df: {  	(xrf2) =	vadd.scan.msk.f32 $0xffff, v8  }
0x1e0: {  	(xrf2) =	vadd.scan.msk.f32 $0xffff, v9;
	_ =	sdelay $0x8  }
0x1e1: {  	v8, _, _ =	vpop (xrf2)  }
0x1e2: {  	v9, _, _ =	vpop (xrf2)  }
0x1e3: {  	v9 =	vbroadcast v9, $0xF  }
0x1e4: {  	v8 =	vbroadcast v8, $0xF  }
0x1e5: {  	v9 =	vnsel vm0, $0x0, v9  }
0x1e6: {  	v8 =	vsel vm1, v9, v8  }
0x1e7: {  	[tilespmem:$0x3300] =	vst v8  }
0x1e8: {  	[spmem:s10] =	stream.linear.scatter [tilespmem:s20], [sflag:$0x1], $0x20, $0x38;
	[tilespmem:$0x35A0] =	vst v63  }
.Ltmp7:
0x1e9: {  	_ =	swait.ge [sflag:s14], $0x20;
	(pc) =	sbr.rel @p0 .LBB2_13-.Ltmp7, $3  }
0x1ea: {  	[sflag:s14] =	ssyncset.done $0x0  }
0x1eb: {  	[sflag:s14] =	ssyncadd.s32 $0xFFFFFFE0  }
0x1ec: {  	[bflag:$0x0] =	sbarrier.arrive $0xFFFF;
	_ =	sdelay $0x1  }
0x1ed: {  	s1 =	rddreg [dreg:$0x1]  }
0x1ee: {  	[tilespmem:s21], [sflag:$0x1] =	stream.linear.gather [spmem:s1], $0x20, $0x38;
	[tilespmem:$0x35A0] =	vst v63  }
0x1ef: {  	_ =	swait.ge [sflag:s14], $0x20  }
0x1f0: {  	[sflag:s14] =	ssyncset.done $0x0  }
0x1f1: {  	s30 =	rddreg [dreg:$0xb];
	[sflag:s14] =	ssyncadd.s32 $0xFFFFFFE0  }
0x1f2: {  	v8 =	vld [tilespmem:$0x3380];
	[tilespmem:s21], [sflag:$0x1] =	stream.linear.gather [spmem:s30], $0x20, $0x38  }
0x1f3: {  	_ =	swait.ge [sflag:s14], $0x20  }
0x1f4: {  	[sflag:s14] =	ssyncset.done $0x0  }
0x1f5: {  	s31 =	rddreg [dreg:$0xc];
	[sflag:s14] =	ssyncadd.s32 $0xFFFFFFE0  }
0x1f6: {  	v9 =	vld [tilespmem:$0x3380];
	[tilespmem:s21], [sflag:$0x1] =	stream.linear.gather [spmem:s31], $0x20, $0x38  }
0x1f7: {  	_ =	swait.ge [sflag:s14], $0x20  }
0x1f8: {  	[sflag:s14] =	ssyncset.done $0x0  }
0x1f9: {  	s4 =	rddreg [dreg:$0xd];
	[sflag:s14] =	ssyncadd.s32 $0xFFFFFFE0  }
0x1fa: {  	v10 =	vld [tilespmem:$0x3380];
	[tilespmem:s21], [sflag:$0x1] =	stream.linear.gather [spmem:s4], $0x20, $0x38  }
0x1fb: {  	_ =	swait.ge [sflag:s14], $0x20  }
0x1fc: {  	[sflag:s14] =	ssyncset.done $0x0  }
0x1fd: {  	s5 =	rddreg [dreg:$0xe];
	[sflag:s14] =	ssyncadd.s32 $0xFFFFFFE0  }
0x1fe: {  	v11 =	vld [tilespmem:$0x3380];
	[tilespmem:s21], [sflag:$0x1] =	stream.linear.gather [spmem:s5], $0x20, $0x38  }
0x1ff: {  	_ =	swait.ge [sflag:s14], $0x20  }
0x200: {  	[sflag:s14] =	ssyncset.done $0x0  }
0x201: {  	s6 =	rddreg [dreg:$0xf];
	[sflag:s14] =	ssyncadd.s32 $0xFFFFFFE0  }
0x202: {  	v12 =	vld [tilespmem:$0x3380];
	[tilespmem:s21], [sflag:$0x1] =	stream.linear.gather [spmem:s6], $0x20, $0x38  }
0x203: {  	_ =	swait.ge [sflag:s14], $0x20  }
0x204: {  	[sflag:s14] =	ssyncset.done $0x0  }
0x205: {  	s7 =	rddreg [dreg:$0x10];
	[sflag:s14] =	ssyncadd.s32 $0xFFFFFFE0  }
0x206: {  	v13 =	vld [tilespmem:$0x3380];
	[tilespmem:s21], [sflag:$0x1] =	stream.linear.gather [spmem:s7], $0x20, $0x38  }
0x207: {  	_ =	swait.ge [sflag:s14], $0x20  }
0x208: {  	[sflag:s14] =	ssyncset.done $0x0  }
0x209: {  	s9 =	rddreg [dreg:$0x11];
	[sflag:s14] =	ssyncadd.s32 $0xFFFFFFE0  }
0x20a: {  	v14 =	vld [tilespmem:$0x3380];
	[tilespmem:s21], [sflag:$0x1] =	stream.linear.gather [spmem:s9], $0x20, $0x38  }
0x20b: {  	_ =	swait.ge [sflag:s14], $0x20  }
0x20c: {  	[sflag:s14] =	ssyncset.done $0x0  }
0x20d: {  	s11 =	rddreg [dreg:$0x12];
	[sflag:s14] =	ssyncadd.s32 $0xFFFFFFE0  }
0x20e: {  	v15 =	vld [tilespmem:$0x3380];
	[tilespmem:s21], [sflag:$0x1] =	stream.linear.gather [spmem:s11], $0x20, $0x38  }
0x20f: {  	_ =	swait.ge [sflag:s14], $0x20  }
0x210: {  	[sflag:s14] =	ssyncset.done $0x0  }
0x211: {  	s12 =	rddreg [dreg:$0x13];
	[sflag:s14] =	ssyncadd.s32 $0xFFFFFFE0  }
0x212: {  	v16 =	vld [tilespmem:$0x3380];
	[tilespmem:s21], [sflag:$0x1] =	stream.linear.gather [spmem:s12], $0x20, $0x38  }
0x213: {  	_ =	swait.ge [sflag:s14], $0x20  }
0x214: {  	[sflag:s14] =	ssyncset.done $0x0  }
0x215: {  	v8 =	vadd.f32 $0.0e+00, v8;
	s13 =	rddreg [dreg:$0x15];
	[sflag:s14] =	ssyncadd.s32 $0xFFFFFFE0  }
0x216: {  	v17 =	vld [tilespmem:$0x3380];
	[tilespmem:s21], [sflag:$0x1] =	stream.linear.gather [spmem:s13], $0x20, $0x38  }
0x217: {  	v8 =	vadd.f32 v9, v8;
	_ =	swait.ge [sflag:s14], $0x20  }
0x218: {  	[sflag:s14] =	ssyncset.done $0x0  }
0x219: {  	v8 =	vadd.f32 v10, v8;
	s15 =	rddreg [dreg:$0x16];
	[sflag:s14] =	ssyncadd.s32 $0xFFFFFFE0  }
0x21a: {  	v18 =	vld [tilespmem:$0x3380];
	[tilespmem:s21], [sflag:$0x1] =	stream.linear.gather [spmem:s15], $0x20, $0x38  }
0x21b: {  	v8 =	vadd.f32 v11, v8;
	_ =	swait.ge [sflag:s14], $0x20  }
0x21c: {  	[sflag:s14] =	ssyncset.done $0x0  }
0x21d: {  	v8 =	vadd.f32 v12, v8;
	s16 =	rddreg [dreg:$0x17];
	[sflag:s14] =	ssyncadd.s32 $0xFFFFFFE0  }
0x21e: {  	v59 =	vld [tilespmem:$0x3380];
	[tilespmem:s21], [sflag:$0x1] =	stream.linear.gather [spmem:s16], $0x20, $0x38  }
0x21f: {  	v8 =	vadd.f32 v13, v8;
	_ =	swait.ge [sflag:s14], $0x20  }
0x220: {  	[sflag:s14] =	ssyncset.done $0x0  }
0x221: {  	v8 =	vadd.f32 v14, v8;
	s17 =	rddreg [dreg:$0x18];
	[sflag:s14] =	ssyncadd.s32 $0xFFFFFFE0  }
0x222: {  	v60 =	vld [tilespmem:$0x3380];
	[tilespmem:s21], [sflag:$0x1] =	stream.linear.gather [spmem:s17], $0x20, $0x38  }
0x223: {  	v8 =	vadd.f32 v15, v8;
	_ =	swait.ge [sflag:s14], $0x20  }
0x224: {  	[sflag:s14] =	ssyncset.done $0x0  }
0x225: {  	v8 =	vadd.f32 v16, v8;
	s18 =	rddreg [dreg:$0x19];
	[sflag:s14] =	ssyncadd.s32 $0xFFFFFFE0  }
0x226: {  	v61 =	vld [tilespmem:$0x3380];
	[tilespmem:s21], [sflag:$0x1] =	stream.linear.gather [spmem:s18], $0x20, $0x38  }
0x227: {  	v8 =	vadd.f32 v17, v8;
	_ =	swait.ge [sflag:s14], $0x20  }
0x228: {  	[sflag:s14] =	ssyncset.done $0x0  }
0x229: {  	v8 =	vadd.f32 v18, v8;
	s30 =	rddreg [dreg:$0x1a];
	[sflag:s14] =	ssyncadd.s32 $0xFFFFFFE0  }
0x22a: {  	v62 =	vld [tilespmem:$0x3380];
	[tilespmem:s21], [sflag:$0x1] =	stream.linear.gather [spmem:s30], $0x20, $0x38  }
0x22b: {  	v8 =	vadd.f32 v59, v8;
	_ =	swait.ge [sflag:s14], $0x20  }
0x22c: {  	[sflag:s14] =	ssyncset.done $0x0  }
0x22d: {  	v8 =	vadd.f32 v60, v8;
	[sflag:s14] =	ssyncadd.s32 $0xFFFFFFE0  }
0x22e: {  	v63 =	vld [tilespmem:$0x3380]  }
0x22f: {  	v8 =	vadd.f32 v61, v8;
	_ =	sdelay $0x1  }
0x230: {  	v8 =	vadd.f32 v62, v8;
	_ =	sdelay $0x1  }
0x231: {  	v8 =	vadd.f32 v63, v8;
	_ =	sdelay $0x1  }
.Ltmp8:
0x232: {  	s4 =	simm.s32 $0x3500;
	s31 =	rddreg [dreg:$0x14];
	[tilespmem:$0x3500] =	vst v8;
	(pc) =	sbr.rel .LBB2_13-.Ltmp8, $4  }
0x233: {  	[hbm4b:s31+s2] =	stream.linear.scatter [tilespmem:s4], [sflag:$0x1], $0x10, $0x38;
	[tilespmem:$0x35A0] =	vst v63  }
0x234: {  	_ =	swait.ge [sflag:s14], $0x10  }
0x235: {  	[sflag:s14] =	ssyncset.done $0x0  }
0x236: {  	[sflag:s14] =	ssyncadd.s32 $0xFFFFFFF0  }
.LBB2_14:
0x237: {  	_ =	sfence.sel $0x180000  }
0x238: {  	[bflag:$0x0] =	sbarrier.arrive $0xFFFF  }
0x239: {  	_ =	strace $0x90000047  }
0x23a: {  	[bflag:$0x2] =	sbarrier.arrive $0xFFFF  }
0x23b: {  	s0 =	rddreg [dreg:$0x2]  }
0x23c: {  	s0 =	sadd.s32 @!p0 $0x100000, s0  }
0x23d: {  	[sflag:s0] =	ssyncadd.tile.s32 @!p0 $0x1;
	_ =	shalt  }
.Lfunc_end2:
_tile_overlayer_lowered:
.L_overlay_start_2:
0x23e: {  	(tag) =	ssettag $0x2  }
0x23f: {  	s0 =	rddreg [dreg:$0x0];
	s2 =	stileid.u32  }
0x240: {  	s1 =	rddreg [dreg:$0x1];
	p0 =	sne.s32 s2, $0x0  }
0x241: {  	s3 =	rddreg [dreg:$0x2];
	[bflag:$0x3] =	sbarrier.arrive $0xFFFF;
	s2 =	simm.s32 @!p0 $0x1C01  }
0x242: {  	[timem:s3], [sflag:s2] =	dma.local @!p0 [hbm:s0], s1  }
0x243: {  	s0 =	simm.s32 @!p0 $0x1  }
0x244: {  	_ =	swait.ge @!p0 [sflag:s0], s1  }
0x245: {  	s1 =	ssub.s32 @!p0 $0x0, s1;
	[sflag:s0] =	ssyncset.done @!p0 $0x0  }
0x246: {  	[sflag:s0] =	ssyncadd.s32 @!p0 s1  }
0x247: {  	[bflag:$0x3] =	sbarrier.arrive $0xFFFF  }
0x248: {  	_ =	shalt  }

</sc_bundles>
